<compile_context>
chip_gen: v7x
topology: tpu7x:2x2x1
jax: 0.10.2.dev20260603
libtpu: 0.0.44.dev20260713+nightly
codegen_flags: <defaults>
</compile_context>

<pallas_src>
import functools

import jax
import jax.numpy as jnp
from jax import lax
from jax.experimental import pallas as pl
from jax.experimental.pallas import tpu as pltpu
from jax.experimental.pallas import tpu_sc as plsc

B = 16384
D = 64
NC = 2
NS = 16
L = 16
NW = NC * NS

SB = 4096
RPW = SB // NW
CPW = max(128, RPW // 2)
NH = RPW // CPW

BC = 2048

_mesh = plsc.VectorSubcoreMesh(core_axis_name="c", subcore_axis_name="s")


@functools.partial(
    pl.kernel,
    mesh=_mesh,
    compiler_params=pltpu.CompilerParams(needs_layout_passes=False),
    out_type=jax.ShapeDtypeStruct((SB,), jnp.float32),
    scratch_types=[
        pltpu.VMEM((D, CPW), jnp.float32),
        pltpu.VMEM((D, CPW), jnp.float32),
        pltpu.VMEM((D, CPW), jnp.float32),
        pltpu.VMEM((D, CPW), jnp.float32),
        pltpu.VMEM((1, RPW), jnp.float32),
        pltpu.VMEM((1, RPW), jnp.float32),
        pltpu.VMEM((L,), jnp.float32),
        pltpu.VMEM((RPW,), jnp.float32),
        pltpu.SemaphoreType.DMA,
        pltpu.SemaphoreType.DMA,
        pltpu.SemaphoreType.DMA,
        pltpu.SemaphoreType.DMA,
    ],
)
def _sc_kernel(guT_hbm, giT_hbm, buT_hbm, biT_hbm, mu_hbm, out_hbm,
               gu_a, gu_b, gi_a, gi_b, bu_v, bi_v, mu_v, out_v,
               s0, s1, s2, s3):
    c = lax.axis_index("c")
    s = lax.axis_index("s")
    wid = s * NC + c
    base = wid * RPW
    pltpu.sync_copy(mu_hbm, mu_v)
    pltpu.sync_copy(buT_hbm.at[:, pl.ds(base, RPW)], bu_v)
    pltpu.sync_copy(biT_hbm.at[:, pl.ds(base, RPW)], bi_v)
    mu_vec = mu_v[...]

    gub = [gu_a, gu_b]
    gib = [gi_a, gi_b]
    sems = [s0, s1, s2, s3]

    def start(h):
        c0 = base + h * CPW
        return (pltpu.async_copy(guT_hbm.at[:, pl.ds(c0, CPW)], gub[h],
                                 sems[2 * h]),
                pltpu.async_copy(giT_hbm.at[:, pl.ds(c0, CPW)], gib[h],
                                 sems[2 * h + 1]))

    pend = {0: start(0)}
    for h in range(NH):
        if h + 1 < NH:
            pend[h + 1] = start(h + 1)
        for hd in pend.pop(h):
            hd.wait()
        guv = gub[h]
        giv = gib[h]

        def grp(g, carry):
            j0 = g * L
            sl = pl.ds(j0, L)
            a0 = guv[0, sl] * giv[0, sl]
            a1 = guv[1, sl] * giv[1, sl]
            a2 = guv[2, sl] * giv[2, sl]
            a3 = guv[3, sl] * giv[3, sl]
            for d in range(4, D, 4):
                a0 = a0 + guv[d, sl] * giv[d, sl]
                a1 = a1 + guv[d + 1, sl] * giv[d + 1, sl]
                a2 = a2 + guv[d + 2, sl] * giv[d + 2, sl]
                a3 = a3 + guv[d + 3, sl] * giv[d + 3, sl]
            jr = h * CPW + j0
            slr = pl.ds(jr, L)
            out_v[slr] = ((a0 + a1) + (a2 + a3)
                          + bu_v[0, slr] + bi_v[0, slr] + mu_vec)
            return carry

        lax.fori_loop(0, CPW // L, grp, 0)

    pltpu.sync_copy(out_v, out_hbm.at[pl.ds(base, RPW)])


def _tc_body(gu_ref, gi_ref, bu_ref, bi_ref, mu_ref, out_ref):
    s = jnp.sum(gu_ref[...] * gi_ref[...], axis=0)
    out_ref[...] = s + bu_ref[0, :] + bi_ref[0, :] + mu_ref[0, 0]


_SHIFT = SB // BC


def _tc_part(guT, giT, buT, biT, Mu):
    return pl.pallas_call(
        _tc_body,
        grid=((B - SB) // BC,),
        in_specs=[
            pl.BlockSpec((D, BC), lambda i: (0, i + _SHIFT)),
            pl.BlockSpec((D, BC), lambda i: (0, i + _SHIFT)),
            pl.BlockSpec((1, BC), lambda i: (0, i + _SHIFT)),
            pl.BlockSpec((1, BC), lambda i: (0, i + _SHIFT)),
            pl.BlockSpec((1, 1), lambda i: (0, 0)),
        ],
        out_specs=pl.BlockSpec((BC,), lambda i: (i,)),
        out_shape=jax.ShapeDtypeStruct((B - SB,), jnp.float32),
    )(guT, giT, buT, biT, Mu)


def kernel(gu, gi, bu, bi, Mu):
    guT = gu.T
    giT = gi.T
    buT = bu.T
    biT = bi.T
    mu16 = jnp.broadcast_to(Mu.reshape(()), (L,))
    out_sc = _sc_kernel(guT, giT, buT, biT, mu16)
    out_tc = _tc_part(guT, giT, buT, biT, Mu)
    return jnp.concatenate([out_sc, out_tc])

# --- scband reference (transcript-rebuilt; emitter-appended) ---
"""Pipeline reference for scband-uuiigcnmodel-42047729828141 (READ-ONLY COPY).

The authoritative reference and input builder live on the scoring server;
editing this copy changes nothing except your own understanding.
"""

import jax, jax.numpy as jnp
import numpy as np

B = 16384
D = 64

def setup_inputs(seed: int = 0) -> dict:
    key = jax.random.key(seed)
    k1, k2, k3, k4, k5 = jax.random.split(key, 5)
    gu = jax.random.normal(k1, (B, D), dtype=jnp.float32)
    gi = jax.random.normal(k2, (B, D), dtype=jnp.float32)
    bu = jax.random.normal(k3, (B, 1), dtype=jnp.float32)
    bi = jax.random.normal(k4, (B, 1), dtype=jnp.float32)
    # Learned global-bias parameter Mu (xavier_normal_ on a (1,1) tensor ~ normal)
    Mu = jax.random.normal(k5, (1, 1), dtype=jnp.float32)
    return {"gu": gu, "gi": gi, "bu": bu, "bi": bi, "Mu": Mu}

def reference(gu, gi, bu, bi, Mu):
    # Faithful translation of UUIIGCNModel.forward:
    # xui = sum(gamma_u * gamma_i, 1) + beta_u + beta_i + mu
    gamma_u = jnp.squeeze(gu)
    gamma_i = jnp.squeeze(gi)
    beta_u = jnp.squeeze(bu)
    beta_i = jnp.squeeze(bi)
    mu = jnp.squeeze(Mu)
    xui = jnp.sum(gamma_u * gamma_i, axis=1) + beta_u + beta_i + mu
    return xui

if __name__ == "__main__":
    import jax
    _d = setup_inputs()
    print(jax.jit(kernel)(*tuple(_d.values())))

</pallas_src>

<mosaic_0001>
#map = affine_map<(d0, d1) -> (0, 0)>
#map1 = affine_map<(d0, d1) -> (0)>
module attributes {stable_mosaic.version = 14 : i64} {
  func.func @_sc_kernel(%arg0: i32, %arg1: i32, %arg2: memref<64x16384xf32, #tpu.memory_space<hbm>>, %arg3: memref<64x16384xf32, #tpu.memory_space<hbm>>, %arg4: memref<1x16384xf32, #tpu.memory_space<hbm>>, %arg5: memref<1x16384xf32, #tpu.memory_space<hbm>>, %arg6: memref<16xf32, #tpu.memory_space<hbm>>, %arg7: memref<4096xf32, #tpu.memory_space<hbm>>, %arg8: memref<64x128xf32, #tpu.memory_space<vmem>>, %arg9: memref<64x128xf32, #tpu.memory_space<vmem>>, %arg10: memref<64x128xf32, #tpu.memory_space<vmem>>, %arg11: memref<64x128xf32, #tpu.memory_space<vmem>>, %arg12: memref<1x128xf32, #tpu.memory_space<vmem>>, %arg13: memref<1x128xf32, #tpu.memory_space<vmem>>, %arg14: memref<16xf32, #tpu.memory_space<vmem>>, %arg15: memref<128xf32, #tpu.memory_space<vmem>>, %arg16: memref<!tpu.dma_semaphore, #tpu.memory_space<semaphore_mem>>, %arg17: memref<!tpu.dma_semaphore, #tpu.memory_space<semaphore_mem>>, %arg18: memref<!tpu.dma_semaphore, #tpu.memory_space<semaphore_mem>>, %arg19: memref<!tpu.dma_semaphore, #tpu.memory_space<semaphore_mem>>) attributes {dimension_semantics = [#tpu.dimension_semantics<core_parallel>, #tpu.dimension_semantics<subcore_parallel>], iteration_bounds = array<i64: 2, 16>, scalar_prefetch = 0 : i64, scratch_operands = 12 : i64, tpu.core_type = #tpu.core_type<sc_vector_subcore>, window_params = [{transform_indices = #map}, {transform_indices = #map}, {transform_indices = #map}, {transform_indices = #map}, {transform_indices = #map1}, {transform_indices = #map1}]} {
    %mul3A = arith.constant 2 : i32
    %mul3A_0 = arith.muli %arg1, %mul3A : i32
    %add3A = arith.addi %mul3A_0, %arg0 : i32
    %mul3A_1 = arith.constant 128 : i32
    %mul3A_2 = arith.muli %add3A, %mul3A_1 : i32
    "tpu.region"() ({
      %run_scoped3A = tpu.sem_alloc : memref<!tpu.dma_semaphore, #tpu.memory_space<semaphore_mem>>
      tpu.enqueue_dma source(%arg6 : memref<16xf32, #tpu.memory_space<hbm>>) target(%arg14 : memref<16xf32, #tpu.memory_space<vmem>>) target_semaphore(%run_scoped3A : memref<!tpu.dma_semaphore, #tpu.memory_space<semaphore_mem>>)
      tpu.wait_dma2 semaphore(%run_scoped3A : memref<!tpu.dma_semaphore, #tpu.memory_space<semaphore_mem>>) src(%arg6 : memref<16xf32, #tpu.memory_space<hbm>>) dst(%arg14 : memref<16xf32, #tpu.memory_space<vmem>>)
      tpu.yield
    }) : () -> ()
    "tpu.region"() ({
      %run_scoped3A = tpu.sem_alloc : memref<!tpu.dma_semaphore, #tpu.memory_space<semaphore_mem>>
      %dma_start3A_25 = arith.constant 0 : i32
      %dma_start3A_26 = tpu.memref_slice %arg4[%dma_start3A_25, %mul3A_2] : memref<1x16384xf32, #tpu.memory_space<hbm>> -> memref<1x128xf32, #tpu.memory_space<hbm>>
      %dma_start3A_27 = arith.constant 0 : i32
      %dma_start3A_28 = tpu.memref_slice %arg4[%dma_start3A_27, %mul3A_2] : memref<1x16384xf32, #tpu.memory_space<hbm>> -> memref<1x128xf32, #tpu.memory_space<hbm>>
      tpu.enqueue_dma source(%dma_start3A_28 : memref<1x128xf32, #tpu.memory_space<hbm>>) target(%arg12 : memref<1x128xf32, #tpu.memory_space<vmem>>) target_semaphore(%run_scoped3A : memref<!tpu.dma_semaphore, #tpu.memory_space<semaphore_mem>>)
      %dma_wait3A_29 = arith.constant 0 : i32
      %dma_wait3A_30 = tpu.memref_slice %arg4[%dma_wait3A_29, %mul3A_2] : memref<1x16384xf32, #tpu.memory_space<hbm>> -> memref<1x128xf32, #tpu.memory_space<hbm>>
      %dma_wait3A_31 = arith.constant 0 : i32
      %dma_wait3A_32 = tpu.memref_slice %arg4[%dma_wait3A_31, %mul3A_2] : memref<1x16384xf32, #tpu.memory_space<hbm>> -> memref<1x128xf32, #tpu.memory_space<hbm>>
      tpu.wait_dma2 semaphore(%run_scoped3A : memref<!tpu.dma_semaphore, #tpu.memory_space<semaphore_mem>>) src(%dma_wait3A_32 : memref<1x128xf32, #tpu.memory_space<hbm>>) dst(%arg12 : memref<1x128xf32, #tpu.memory_space<vmem>>)
      tpu.yield
    }) : () -> ()
    "tpu.region"() ({
      %run_scoped3A = tpu.sem_alloc : memref<!tpu.dma_semaphore, #tpu.memory_space<semaphore_mem>>
      %dma_start3A_25 = arith.constant 0 : i32
      %dma_start3A_26 = tpu.memref_slice %arg5[%dma_start3A_25, %mul3A_2] : memref<1x16384xf32, #tpu.memory_space<hbm>> -> memref<1x128xf32, #tpu.memory_space<hbm>>
      %dma_start3A_27 = arith.constant 0 : i32
      %dma_start3A_28 = tpu.memref_slice %arg5[%dma_start3A_27, %mul3A_2] : memref<1x16384xf32, #tpu.memory_space<hbm>> -> memref<1x128xf32, #tpu.memory_space<hbm>>
      tpu.enqueue_dma source(%dma_start3A_28 : memref<1x128xf32, #tpu.memory_space<hbm>>) target(%arg13 : memref<1x128xf32, #tpu.memory_space<vmem>>) target_semaphore(%run_scoped3A : memref<!tpu.dma_semaphore, #tpu.memory_space<semaphore_mem>>)
      %dma_wait3A_29 = arith.constant 0 : i32
      %dma_wait3A_30 = tpu.memref_slice %arg5[%dma_wait3A_29, %mul3A_2] : memref<1x16384xf32, #tpu.memory_space<hbm>> -> memref<1x128xf32, #tpu.memory_space<hbm>>
      %dma_wait3A_31 = arith.constant 0 : i32
      %dma_wait3A_32 = tpu.memref_slice %arg5[%dma_wait3A_31, %mul3A_2] : memref<1x16384xf32, #tpu.memory_space<hbm>> -> memref<1x128xf32, #tpu.memory_space<hbm>>
      tpu.wait_dma2 semaphore(%run_scoped3A : memref<!tpu.dma_semaphore, #tpu.memory_space<semaphore_mem>>) src(%dma_wait3A_32 : memref<1x128xf32, #tpu.memory_space<hbm>>) dst(%arg13 : memref<1x128xf32, #tpu.memory_space<vmem>>)
      tpu.yield
    }) : () -> ()
    %get3A = arith.constant 0 : index
    %get3A_3 = tpu.vector_load %arg14[%get3A] {strides = array<i32>} : memref<16xf32, #tpu.memory_space<vmem>>, vector<16xf32>,
    %add3A_4 = arith.constant 0 : i32
    %add3A_5 = arith.addi %mul3A_2, %add3A_4 : i32
    %dma_start3A = arith.constant 0 : i32
    %dma_start3A_6 = tpu.memref_slice %arg2[%dma_start3A, %add3A_5] : memref<64x16384xf32, #tpu.memory_space<hbm>> -> memref<64x128xf32, #tpu.memory_space<hbm>>
    %dma_start3A_7 = arith.constant 0 : i32
    %dma_start3A_8 = tpu.memref_slice %arg2[%dma_start3A_7, %add3A_5] : memref<64x16384xf32, #tpu.memory_space<hbm>> -> memref<64x128xf32, #tpu.memory_space<hbm>>
    tpu.enqueue_dma source(%dma_start3A_8 : memref<64x128xf32, #tpu.memory_space<hbm>>) target(%arg8 : memref<64x128xf32, #tpu.memory_space<vmem>>) target_semaphore(%arg16 : memref<!tpu.dma_semaphore, #tpu.memory_space<semaphore_mem>>)
    %dma_start3A_9 = arith.constant 0 : i32
    %dma_start3A_10 = tpu.memref_slice %arg3[%dma_start3A_9, %add3A_5] : memref<64x16384xf32, #tpu.memory_space<hbm>> -> memref<64x128xf32, #tpu.memory_space<hbm>>
    %dma_start3A_11 = arith.constant 0 : i32
    %dma_start3A_12 = tpu.memref_slice %arg3[%dma_start3A_11, %add3A_5] : memref<64x16384xf32, #tpu.memory_space<hbm>> -> memref<64x128xf32, #tpu.memory_space<hbm>>
    tpu.enqueue_dma source(%dma_start3A_12 : memref<64x128xf32, #tpu.memory_space<hbm>>) target(%arg10 : memref<64x128xf32, #tpu.memory_space<vmem>>) target_semaphore(%arg17 : memref<!tpu.dma_semaphore, #tpu.memory_space<semaphore_mem>>)
    %dma_wait3A = arith.constant 0 : i32
    %dma_wait3A_13 = tpu.memref_slice %arg2[%dma_wait3A, %add3A_5] : memref<64x16384xf32, #tpu.memory_space<hbm>> -> memref<64x128xf32, #tpu.memory_space<hbm>>
    %dma_wait3A_14 = arith.constant 0 : i32
    %dma_wait3A_15 = tpu.memref_slice %arg2[%dma_wait3A_14, %add3A_5] : memref<64x16384xf32, #tpu.memory_space<hbm>> -> memref<64x128xf32, #tpu.memory_space<hbm>>
    tpu.wait_dma2 semaphore(%arg16 : memref<!tpu.dma_semaphore, #tpu.memory_space<semaphore_mem>>) src(%dma_wait3A_15 : memref<64x128xf32, #tpu.memory_space<hbm>>) dst(%arg8 : memref<64x128xf32, #tpu.memory_space<vmem>>)
    %dma_wait3A_16 = arith.constant 0 : i32
    %dma_wait3A_17 = tpu.memref_slice %arg3[%dma_wait3A_16, %add3A_5] : memref<64x16384xf32, #tpu.memory_space<hbm>> -> memref<64x128xf32, #tpu.memory_space<hbm>>
    %dma_wait3A_18 = arith.constant 0 : i32
    %dma_wait3A_19 = tpu.memref_slice %arg3[%dma_wait3A_18, %add3A_5] : memref<64x16384xf32, #tpu.memory_space<hbm>> -> memref<64x128xf32, #tpu.memory_space<hbm>>
    tpu.wait_dma2 semaphore(%arg17 : memref<!tpu.dma_semaphore, #tpu.memory_space<semaphore_mem>>) src(%dma_wait3A_19 : memref<64x128xf32, #tpu.memory_space<hbm>>) dst(%arg10 : memref<64x128xf32, #tpu.memory_space<vmem>>)
    %scan3A = arith.constant 0 : i32
    %scan3A_20 = arith.constant 0 : i32
    %scan3A_21 = arith.constant 8 : i32
    %scan3A_22 = arith.addi %scan3A_20, %scan3A_21 : i32
    %scan3A_23 = arith.constant 1 : i32
    scf.for %scan3A_25 = %scan3A_20 to %scan3A_22 step %scan3A_23  : i32 {
      %mul3A_26 = arith.constant 16 : i32
      %mul3A_27 = arith.muli %scan3A_25, %mul3A_26 : i32
      %get3A_28 = arith.constant 0 : i32
      %get3A_29 = arith.index_cast %get3A_28 : i32 to index
      %get3A_30 = arith.index_cast %mul3A_27 : i32 to index
      %get3A_31 = tpu.vector_load %arg8[%get3A_29, %get3A_30] {strides = array<i32>} : memref<64x128xf32, #tpu.memory_space<vmem>>, vector<16xf32>,
      %get3A_32 = arith.constant 0 : i32
      %get3A_33 = arith.index_cast %get3A_32 : i32 to index
      %get3A_34 = arith.index_cast %mul3A_27 : i32 to index
      %get3A_35 = tpu.vector_load %arg10[%get3A_33, %get3A_34] {strides = array<i32>} : memref<64x128xf32, #tpu.memory_space<vmem>>, vector<16xf32>,
      %mul3A_36 = arith.mulf %get3A_31, %get3A_35 : vector<16xf32>
      %get3A_37 = arith.constant 1 : i32
      %get3A_38 = arith.index_cast %get3A_37 : i32 to index
      %get3A_39 = arith.index_cast %mul3A_27 : i32 to index
      %get3A_40 = tpu.vector_load %arg8[%get3A_38, %get3A_39] {strides = array<i32>} : memref<64x128xf32, #tpu.memory_space<vmem>>, vector<16xf32>,
      %get3A_41 = arith.constant 1 : i32
      %get3A_42 = arith.index_cast %get3A_41 : i32 to index
      %get3A_43 = arith.index_cast %mul3A_27 : i32 to index
      %get3A_44 = tpu.vector_load %arg10[%get3A_42, %get3A_43] {strides = array<i32>} : memref<64x128xf32, #tpu.memory_space<vmem>>, vector<16xf32>,
      %mul3A_45 = arith.mulf %get3A_40, %get3A_44 : vector<16xf32>
      %get3A_46 = arith.constant 2 : i32
      %get3A_47 = arith.index_cast %get3A_46 : i32 to index
      %get3A_48 = arith.index_cast %mul3A_27 : i32 to index
      %get3A_49 = tpu.vector_load %arg8[%get3A_47, %get3A_48] {strides = array<i32>} : memref<64x128xf32, #tpu.memory_space<vmem>>, vector<16xf32>,
      %get3A_50 = arith.constant 2 : i32
      %get3A_51 = arith.index_cast %get3A_50 : i32 to index
      %get3A_52 = arith.index_cast %mul3A_27 : i32 to index
      %get3A_53 = tpu.vector_load %arg10[%get3A_51, %get3A_52] {strides = array<i32>} : memref<64x128xf32, #tpu.memory_space<vmem>>, vector<16xf32>,
      %mul3A_54 = arith.mulf %get3A_49, %get3A_53 : vector<16xf32>
      %get3A_55 = arith.constant 3 : i32
      %get3A_56 = arith.index_cast %get3A_55 : i32 to index
      %get3A_57 = arith.index_cast %mul3A_27 : i32 to index
      %get3A_58 = tpu.vector_load %arg8[%get3A_56, %get3A_57] {strides = array<i32>} : memref<64x128xf32, #tpu.memory_space<vmem>>, vector<16xf32>,
      %get3A_59 = arith.constant 3 : i32
      %get3A_60 = arith.index_cast %get3A_59 : i32 to index
      %get3A_61 = arith.index_cast %mul3A_27 : i32 to index
      %get3A_62 = tpu.vector_load %arg10[%get3A_60, %get3A_61] {strides = array<i32>} : memref<64x128xf32, #tpu.memory_space<vmem>>, vector<16xf32>,
      %mul3A_63 = arith.mulf %get3A_58, %get3A_62 : vector<16xf32>
      %get3A_64 = arith.constant 4 : i32
      %get3A_65 = arith.index_cast %get3A_64 : i32 to index
      %get3A_66 = arith.index_cast %mul3A_27 : i32 to index
      %get3A_67 = tpu.vector_load %arg8[%get3A_65, %get3A_66] {strides = array<i32>} : memref<64x128xf32, #tpu.memory_space<vmem>>, vector<16xf32>,
      %get3A_68 = arith.constant 4 : i32
      %get3A_69 = arith.index_cast %get3A_68 : i32 to index
      %get3A_70 = arith.index_cast %mul3A_27 : i32 to index
      %get3A_71 = tpu.vector_load %arg10[%get3A_69, %get3A_70] {strides = array<i32>} : memref<64x128xf32, #tpu.memory_space<vmem>>, vector<16xf32>,
      %mul3A_72 = arith.mulf %get3A_67, %get3A_71 : vector<16xf32>
      %add3A_73 = arith.addf %mul3A_36, %mul3A_72 : vector<16xf32>
      %get3A_74 = arith.constant 5 : i32
      %get3A_75 = arith.index_cast %get3A_74 : i32 to index
      %get3A_76 = arith.index_cast %mul3A_27 : i32 to index
      %get3A_77 = tpu.vector_load %arg8[%get3A_75, %get3A_76] {strides = array<i32>} : memref<64x128xf32, #tpu.memory_space<vmem>>, vector<16xf32>,
      %get3A_78 = arith.constant 5 : i32
      %get3A_79 = arith.index_cast %get3A_78 : i32 to index
      %get3A_80 = arith.index_cast %mul3A_27 : i32 to index
      %get3A_81 = tpu.vector_load %arg10[%get3A_79, %get3A_80] {strides = array<i32>} : memref<64x128xf32, #tpu.memory_space<vmem>>, vector<16xf32>,
      %mul3A_82 = arith.mulf %get3A_77, %get3A_81 : vector<16xf32>
      %add3A_83 = arith.addf %mul3A_45, %mul3A_82 : vector<16xf32>
      %get3A_84 = arith.constant 6 : i32
      %get3A_85 = arith.index_cast %get3A_84 : i32 to index
      %get3A_86 = arith.index_cast %mul3A_27 : i32 to index
      %get3A_87 = tpu.vector_load %arg8[%get3A_85, %get3A_86] {strides = array<i32>} : memref<64x128xf32, #tpu.memory_space<vmem>>, vector<16xf32>,
      %get3A_88 = arith.constant 6 : i32
      %get3A_89 = arith.index_cast %get3A_88 : i32 to index
      %get3A_90 = arith.index_cast %mul3A_27 : i32 to index
      %get3A_91 = tpu.vector_load %arg10[%get3A_89, %get3A_90] {strides = array<i32>} : memref<64x128xf32, #tpu.memory_space<vmem>>, vector<16xf32>,
      %mul3A_92 = arith.mulf %get3A_87, %get3A_91 : vector<16xf32>
      %add3A_93 = arith.addf %mul3A_54, %mul3A_92 : vector<16xf32>
      %get3A_94 = arith.constant 7 : i32
      %get3A_95 = arith.index_cast %get3A_94 : i32 to index
      %get3A_96 = arith.index_cast %mul3A_27 : i32 to index
      %get3A_97 = tpu.vector_load %arg8[%get3A_95, %get3A_96] {strides = array<i32>} : memref<64x128xf32, #tpu.memory_space<vmem>>, vector<16xf32>,
      %get3A_98 = arith.constant 7 : i32
      %get3A_99 = arith.index_cast %get3A_98 : i32 to index
      %get3A_100 = arith.index_cast %mul3A_27 : i32 to index
      %get3A_101 = tpu.vector_load %arg10[%get3A_99, %get3A_100] {strides = array<i32>} : memref<64x128xf32, #tpu.memory_space<vmem>>, vector<16xf32>,
      %mul3A_102 = arith.mulf %get3A_97, %get3A_101 : vector<16xf32>
      %add3A_103 = arith.addf %mul3A_63, %mul3A_102 : vector<16xf32>
      %get3A_104 = arith.constant 8 : i32
      %get3A_105 = arith.index_cast %get3A_104 : i32 to index
      %get3A_106 = arith.index_cast %mul3A_27 : i32 to index
      %get3A_107 = tpu.vector_load %arg8[%get3A_105, %get3A_106] {strides = array<i32>} : memref<64x128xf32, #tpu.memory_space<vmem>>, vector<16xf32>,
      %get3A_108 = arith.constant 8 : i32
      %get3A_109 = arith.index_cast %get3A_108 : i32 to index
      %get3A_110 = arith.index_cast %mul3A_27 : i32 to index
      %get3A_111 = tpu.vector_load %arg10[%get3A_109, %get3A_110] {strides = array<i32>} : memref<64x128xf32, #tpu.memory_space<vmem>>, vector<16xf32>,
      %mul3A_112 = arith.mulf %get3A_107, %get3A_111 : vector<16xf32>
      %add3A_113 = arith.addf %add3A_73, %mul3A_112 : vector<16xf32>
      %get3A_114 = arith.constant 9 : i32
      %get3A_115 = arith.index_cast %get3A_114 : i32 to index
      %get3A_116 = arith.index_cast %mul3A_27 : i32 to index
      %get3A_117 = tpu.vector_load %arg8[%get3A_115, %get3A_116] {strides = array<i32>} : memref<64x128xf32, #tpu.memory_space<vmem>>, vector<16xf32>,
      %get3A_118 = arith.constant 9 : i32
      %get3A_119 = arith.index_cast %get3A_118 : i32 to index
      %get3A_120 = arith.index_cast %mul3A_27 : i32 to index
      %get3A_121 = tpu.vector_load %arg10[%get3A_119, %get3A_120] {strides = array<i32>} : memref<64x128xf32, #tpu.memory_space<vmem>>, vector<16xf32>,
      %mul3A_122 = arith.mulf %get3A_117, %get3A_121 : vector<16xf32>
      %add3A_123 = arith.addf %add3A_83, %mul3A_122 : vector<16xf32>
      %get3A_124 = arith.constant 10 : i32
      %get3A_125 = arith.index_cast %get3A_124 : i32 to index
      %get3A_126 = arith.index_cast %mul3A_27 : i32 to index
      %get3A_127 = tpu.vector_load %arg8[%get3A_125, %get3A_126] {strides = array<i32>} : memref<64x128xf32, #tpu.memory_space<vmem>>, vector<16xf32>,
      %get3A_128 = arith.constant 10 : i32
      %get3A_129 = arith.index_cast %get3A_128 : i32 to index
      %get3A_130 = arith.index_cast %mul3A_27 : i32 to index
      %get3A_131 = tpu.vector_load %arg10[%get3A_129, %get3A_130] {strides = array<i32>} : memref<64x128xf32, #tpu.memory_space<vmem>>, vector<16xf32>,
      %mul3A_132 = arith.mulf %get3A_127, %get3A_131 : vector<16xf32>
      %add3A_133 = arith.addf %add3A_93, %mul3A_132 : vector<16xf32>
      %get3A_134 = arith.constant 11 : i32
      %get3A_135 = arith.index_cast %get3A_134 : i32 to index
      %get3A_136 = arith.index_cast %mul3A_27 : i32 to index
      %get3A_137 = tpu.vector_load %arg8[%get3A_135, %get3A_136] {strides = array<i32>} : memref<64x128xf32, #tpu.memory_space<vmem>>, vector<16xf32>,
      %get3A_138 = arith.constant 11 : i32
      %get3A_139 = arith.index_cast %get3A_138 : i32 to index
      %get3A_140 = arith.index_cast %mul3A_27 : i32 to index
      %get3A_141 = tpu.vector_load %arg10[%get3A_139, %get3A_140] {strides = array<i32>} : memref<64x128xf32, #tpu.memory_space<vmem>>, vector<16xf32>,
      %mul3A_142 = arith.mulf %get3A_137, %get3A_141 : vector<16xf32>
      %add3A_143 = arith.addf %add3A_103, %mul3A_142 : vector<16xf32>
      %get3A_144 = arith.constant 12 : i32
      %get3A_145 = arith.index_cast %get3A_144 : i32 to index
      %get3A_146 = arith.index_cast %mul3A_27 : i32 to index
      %get3A_147 = tpu.vector_load %arg8[%get3A_145, %get3A_146] {strides = array<i32>} : memref<64x128xf32, #tpu.memory_space<vmem>>, vector<16xf32>,
      %get3A_148 = arith.constant 12 : i32
      %get3A_149 = arith.index_cast %get3A_148 : i32 to index
      %get3A_150 = arith.index_cast %mul3A_27 : i32 to index
      %get3A_151 = tpu.vector_load %arg10[%get3A_149, %get3A_150] {strides = array<i32>} : memref<64x128xf32, #tpu.memory_space<vmem>>, vector<16xf32>,
      %mul3A_152 = arith.mulf %get3A_147, %get3A_151 : vector<16xf32>
      %add3A_153 = arith.addf %add3A_113, %mul3A_152 : vector<16xf32>
      %get3A_154 = arith.constant 13 : i32
      %get3A_155 = arith.index_cast %get3A_154 : i32 to index
      %get3A_156 = arith.index_cast %mul3A_27 : i32 to index
      %get3A_157 = tpu.vector_load %arg8[%get3A_155, %get3A_156] {strides = array<i32>} : memref<64x128xf32, #tpu.memory_space<vmem>>, vector<16xf32>,
      %get3A_158 = arith.constant 13 : i32
      %get3A_159 = arith.index_cast %get3A_158 : i32 to index
      %get3A_160 = arith.index_cast %mul3A_27 : i32 to index
      %get3A_161 = tpu.vector_load %arg10[%get3A_159, %get3A_160] {strides = array<i32>} : memref<64x128xf32, #tpu.memory_space<vmem>>, vector<16xf32>,
      %mul3A_162 = arith.mulf %get3A_157, %get3A_161 : vector<16xf32>
      %add3A_163 = arith.addf %add3A_123, %mul3A_162 : vector<16xf32>
      %get3A_164 = arith.constant 14 : i32
      %get3A_165 = arith.index_cast %get3A_164 : i32 to index
      %get3A_166 = arith.index_cast %mul3A_27 : i32 to index
      %get3A_167 = tpu.vector_load %arg8[%get3A_165, %get3A_166] {strides = array<i32>} : memref<64x128xf32, #tpu.memory_space<vmem>>, vector<16xf32>,
      %get3A_168 = arith.constant 14 : i32
      %get3A_169 = arith.index_cast %get3A_168 : i32 to index
      %get3A_170 = arith.index_cast %mul3A_27 : i32 to index
      %get3A_171 = tpu.vector_load %arg10[%get3A_169, %get3A_170] {strides = array<i32>} : memref<64x128xf32, #tpu.memory_space<vmem>>, vector<16xf32>,
      %mul3A_172 = arith.mulf %get3A_167, %get3A_171 : vector<16xf32>
      %add3A_173 = arith.addf %add3A_133, %mul3A_172 : vector<16xf32>
      %get3A_174 = arith.constant 15 : i32
      %get3A_175 = arith.index_cast %get3A_174 : i32 to index
      %get3A_176 = arith.index_cast %mul3A_27 : i32 to index
      %get3A_177 = tpu.vector_load %arg8[%get3A_175, %get3A_176] {strides = array<i32>} : memref<64x128xf32, #tpu.memory_space<vmem>>, vector<16xf32>,
      %get3A_178 = arith.constant 15 : i32
      %get3A_179 = arith.index_cast %get3A_178 : i32 to index
      %get3A_180 = arith.index_cast %mul3A_27 : i32 to index
      %get3A_181 = tpu.vector_load %arg10[%get3A_179, %get3A_180] {strides = array<i32>} : memref<64x128xf32, #tpu.memory_space<vmem>>, vector<16xf32>,
      %mul3A_182 = arith.mulf %get3A_177, %get3A_181 : vector<16xf32>
      %add3A_183 = arith.addf %add3A_143, %mul3A_182 : vector<16xf32>
      %get3A_184 = arith.constant 16 : i32
      %get3A_185 = arith.index_cast %get3A_184 : i32 to index
      %get3A_186 = arith.index_cast %mul3A_27 : i32 to index
      %get3A_187 = tpu.vector_load %arg8[%get3A_185, %get3A_186] {strides = array<i32>} : memref<64x128xf32, #tpu.memory_space<vmem>>, vector<16xf32>,
      %get3A_188 = arith.constant 16 : i32
      %get3A_189 = arith.index_cast %get3A_188 : i32 to index
      %get3A_190 = arith.index_cast %mul3A_27 : i32 to index
      %get3A_191 = tpu.vector_load %arg10[%get3A_189, %get3A_190] {strides = array<i32>} : memref<64x128xf32, #tpu.memory_space<vmem>>, vector<16xf32>,
      %mul3A_192 = arith.mulf %get3A_187, %get3A_191 : vector<16xf32>
      %add3A_193 = arith.addf %add3A_153, %mul3A_192 : vector<16xf32>
      %get3A_194 = arith.constant 17 : i32
      %get3A_195 = arith.index_cast %get3A_194 : i32 to index
      %get3A_196 = arith.index_cast %mul3A_27 : i32 to index
      %get3A_197 = tpu.vector_load %arg8[%get3A_195, %get3A_196] {strides = array<i32>} : memref<64x128xf32, #tpu.memory_space<vmem>>, vector<16xf32>,
      %get3A_198 = arith.constant 17 : i32
      %get3A_199 = arith.index_cast %get3A_198 : i32 to index
      %get3A_200 = arith.index_cast %mul3A_27 : i32 to index
      %get3A_201 = tpu.vector_load %arg10[%get3A_199, %get3A_200] {strides = array<i32>} : memref<64x128xf32, #tpu.memory_space<vmem>>, vector<16xf32>,
      %mul3A_202 = arith.mulf %get3A_197, %get3A_201 : vector<16xf32>
      %add3A_203 = arith.addf %add3A_163, %mul3A_202 : vector<16xf32>
      %get3A_204 = arith.constant 18 : i32
      %get3A_205 = arith.index_cast %get3A_204 : i32 to index
      %get3A_206 = arith.index_cast %mul3A_27 : i32 to index
      %get3A_207 = tpu.vector_load %arg8[%get3A_205, %get3A_206] {strides = array<i32>} : memref<64x128xf32, #tpu.memory_space<vmem>>, vector<16xf32>,
      %get3A_208 = arith.constant 18 : i32
      %get3A_209 = arith.index_cast %get3A_208 : i32 to index
      %get3A_210 = arith.index_cast %mul3A_27 : i32 to index
      %get3A_211 = tpu.vector_load %arg10[%get3A_209, %get3A_210] {strides = array<i32>} : memref<64x128xf32, #tpu.memory_space<vmem>>, vector<16xf32>,
      %mul3A_212 = arith.mulf %get3A_207, %get3A_211 : vector<16xf32>
      %add3A_213 = arith.addf %add3A_173, %mul3A_212 : vector<16xf32>
      %get3A_214 = arith.constant 19 : i32
      %get3A_215 = arith.index_cast %get3A_214 : i32 to index
      %get3A_216 = arith.index_cast %mul3A_27 : i32 to index
      %get3A_217 = tpu.vector_load %arg8[%get3A_215, %get3A_216] {strides = array<i32>} : memref<64x128xf32, #tpu.memory_space<vmem>>, vector<16xf32>,
      %get3A_218 = arith.constant 19 : i32
      %get3A_219 = arith.index_cast %get3A_218 : i32 to index
      %get3A_220 = arith.index_cast %mul3A_27 : i32 to index
      %get3A_221 = tpu.vector_load %arg10[%get3A_219, %get3A_220] {strides = array<i32>} : memref<64x128xf32, #tpu.memory_space<vmem>>, vector<16xf32>,
      %mul3A_222 = arith.mulf %get3A_217, %get3A_221 : vector<16xf32>
      %add3A_223 = arith.addf %add3A_183, %mul3A_222 : vector<16xf32>
      %get3A_224 = arith.constant 20 : i32
      %get3A_225 = arith.index_cast %get3A_224 : i32 to index
      %get3A_226 = arith.index_cast %mul3A_27 : i32 to index
      %get3A_227 = tpu.vector_load %arg8[%get3A_225, %get3A_226] {strides = array<i32>} : memref<64x128xf32, #tpu.memory_space<vmem>>, vector<16xf32>,
      %get3A_228 = arith.constant 20 : i32
      %get3A_229 = arith.index_cast %get3A_228 : i32 to index
      %get3A_230 = arith.index_cast %mul3A_27 : i32 to index
      %get3A_231 = tpu.vector_load %arg10[%get3A_229, %get3A_230] {strides = array<i32>} : memref<64x128xf32, #tpu.memory_space<vmem>>, vector<16xf32>,
      %mul3A_232 = arith.mulf %get3A_227, %get3A_231 : vector<16xf32>
      %add3A_233 = arith.addf %add3A_193, %mul3A_232 : vector<16xf32>
      %get3A_234 = arith.constant 21 : i32
      %get3A_235 = arith.index_cast %get3A_234 : i32 to index
      %get3A_236 = arith.index_cast %mul3A_27 : i32 to index
      %get3A_237 = tpu.vector_load %arg8[%get3A_235, %get3A_236] {strides = array<i32>} : memref<64x128xf32, #tpu.memory_space<vmem>>, vector<16xf32>,
      %get3A_238 = arith.constant 21 : i32
      %get3A_239 = arith.index_cast %get3A_238 : i32 to index
      %get3A_240 = arith.index_cast %mul3A_27 : i32 to index
      %get3A_241 = tpu.vector_load %arg10[%get3A_239, %get3A_240] {strides = array<i32>} : memref<64x128xf32, #tpu.memory_space<vmem>>, vector<16xf32>,
      %mul3A_242 = arith.mulf %get3A_237, %get3A_241 : vector<16xf32>
      %add3A_243 = arith.addf %add3A_203, %mul3A_242 : vector<16xf32>
      %get3A_244 = arith.constant 22 : i32
      %get3A_245 = arith.index_cast %get3A_244 : i32 to index
      %get3A_246 = arith.index_cast %mul3A_27 : i32 to index
      %get3A_247 = tpu.vector_load %arg8[%get3A_245, %get3A_246] {strides = array<i32>} : memref<64x128xf32, #tpu.memory_space<vmem>>, vector<16xf32>,
      %get3A_248 = arith.constant 22 : i32
      %get3A_249 = arith.index_cast %get3A_248 : i32 to index
      %get3A_250 = arith.index_cast %mul3A_27 : i32 to index
      %get3A_251 = tpu.vector_load %arg10[%get3A_249, %get3A_250] {strides = array<i32>} : memref<64x128xf32, #tpu.memory_space<vmem>>, vector<16xf32>,
      %mul3A_252 = arith.mulf %get3A_247, %get3A_251 : vector<16xf32>
      %add3A_253 = arith.addf %add3A_213, %mul3A_252 : vector<16xf32>
      %get3A_254 = arith.constant 23 : i32
      %get3A_255 = arith.index_cast %get3A_254 : i32 to index
      %get3A_256 = arith.index_cast %mul3A_27 : i32 to index
      %get3A_257 = tpu.vector_load %arg8[%get3A_255, %get3A_256] {strides = array<i32>} : memref<64x128xf32, #tpu.memory_space<vmem>>, vector<16xf32>,
      %get3A_258 = arith.constant 23 : i32
      %get3A_259 = arith.index_cast %get3A_258 : i32 to index
      %get3A_260 = arith.index_cast %mul3A_27 : i32 to index
      %get3A_261 = tpu.vector_load %arg10[%get3A_259, %get3A_260] {strides = array<i32>} : memref<64x128xf32, #tpu.memory_space<vmem>>, vector<16xf32>,
      %mul3A_262 = arith.mulf %get3A_257, %get3A_261 : vector<16xf32>
      %add3A_263 = arith.addf %add3A_223, %mul3A_262 : vector<16xf32>
      %get3A_264 = arith.constant 24 : i32
      %get3A_265 = arith.index_cast %get3A_264 : i32 to index
      %get3A_266 = arith.index_cast %mul3A_27 : i32 to index
      %get3A_267 = tpu.vector_load %arg8[%get3A_265, %get3A_266] {strides = array<i32>} : memref<64x128xf32, #tpu.memory_space<vmem>>, vector<16xf32>,
      %get3A_268 = arith.constant 24 : i32
      %get3A_269 = arith.index_cast %get3A_268 : i32 to index
      %get3A_270 = arith.index_cast %mul3A_27 : i32 to index
      %get3A_271 = tpu.vector_load %arg10[%get3A_269, %get3A_270] {strides = array<i32>} : memref<64x128xf32, #tpu.memory_space<vmem>>, vector<16xf32>,
      %mul3A_272 = arith.mulf %get3A_267, %get3A_271 : vector<16xf32>
      %add3A_273 = arith.addf %add3A_233, %mul3A_272 : vector<16xf32>
      %get3A_274 = arith.constant 25 : i32
      %get3A_275 = arith.index_cast %get3A_274 : i32 to index
      %get3A_276 = arith.index_cast %mul3A_27 : i32 to index
      %get3A_277 = tpu.vector_load %arg8[%get3A_275, %get3A_276] {strides = array<i32>} : memref<64x128xf32, #tpu.memory_space<vmem>>, vector<16xf32>,
      %get3A_278 = arith.constant 25 : i32
      %get3A_279 = arith.index_cast %get3A_278 : i32 to index
      %get3A_280 = arith.index_cast %mul3A_27 : i32 to index
      %get3A_281 = tpu.vector_load %arg10[%get3A_279, %get3A_280] {strides = array<i32>} : memref<64x128xf32, #tpu.memory_space<vmem>>, vector<16xf32>,
      %mul3A_282 = arith.mulf %get3A_277, %get3A_281 : vector<16xf32>
      %add3A_283 = arith.addf %add3A_243, %mul3A_282 : vector<16xf32>
      %get3A_284 = arith.constant 26 : i32
      %get3A_285 = arith.index_cast %get3A_284 : i32 to index
      %get3A_286 = arith.index_cast %mul3A_27 : i32 to index
      %get3A_287 = tpu.vector_load %arg8[%get3A_285, %get3A_286] {strides = array<i32>} : memref<64x128xf32, #tpu.memory_space<vmem>>, vector<16xf32>,
      %get3A_288 = arith.constant 26 : i32
      %get3A_289 = arith.index_cast %get3A_288 : i32 to index
      %get3A_290 = arith.index_cast %mul3A_27 : i32 to index
      %get3A_291 = tpu.vector_load %arg10[%get3A_289, %get3A_290] {strides = array<i32>} : memref<64x128xf32, #tpu.memory_space<vmem>>, vector<16xf32>,
      %mul3A_292 = arith.mulf %get3A_287, %get3A_291 : vector<16xf32>
      %add3A_293 = arith.addf %add3A_253, %mul3A_292 : vector<16xf32>
      %get3A_294 = arith.constant 27 : i32
      %get3A_295 = arith.index_cast %get3A_294 : i32 to index
      %get3A_296 = arith.index_cast %mul3A_27 : i32 to index
      %get3A_297 = tpu.vector_load %arg8[%get3A_295, %get3A_296] {strides = array<i32>} : memref<64x128xf32, #tpu.memory_space<vmem>>, vector<16xf32>,
      %get3A_298 = arith.constant 27 : i32
      %get3A_299 = arith.index_cast %get3A_298 : i32 to index
      %get3A_300 = arith.index_cast %mul3A_27 : i32 to index
      %get3A_301 = tpu.vector_load %arg10[%get3A_299, %get3A_300] {strides = array<i32>} : memref<64x128xf32, #tpu.memory_space<vmem>>, vector<16xf32>,
      %mul3A_302 = arith.mulf %get3A_297, %get3A_301 : vector<16xf32>
      %add3A_303 = arith.addf %add3A_263, %mul3A_302 : vector<16xf32>
      %get3A_304 = arith.constant 28 : i32
      %get3A_305 = arith.index_cast %get3A_304 : i32 to index
      %get3A_306 = arith.index_cast %mul3A_27 : i32 to index
      %get3A_307 = tpu.vector_load %arg8[%get3A_305, %get3A_306] {strides = array<i32>} : memref<64x128xf32, #tpu.memory_space<vmem>>, vector<16xf32>,
      %get3A_308 = arith.constant 28 : i32
      %get3A_309 = arith.index_cast %get3A_308 : i32 to index
      %get3A_310 = arith.index_cast %mul3A_27 : i32 to index
      %get3A_311 = tpu.vector_load %arg10[%get3A_309, %get3A_310] {strides = array<i32>} : memref<64x128xf32, #tpu.memory_space<vmem>>, vector<16xf32>,
      %mul3A_312 = arith.mulf %get3A_307, %get3A_311 : vector<16xf32>
      %add3A_313 = arith.addf %add3A_273, %mul3A_312 : vector<16xf32>
      %get3A_314 = arith.constant 29 : i32
      %get3A_315 = arith.index_cast %get3A_314 : i32 to index
      %get3A_316 = arith.index_cast %mul3A_27 : i32 to index
      %get3A_317 = tpu.vector_load %arg8[%get3A_315, %get3A_316] {strides = array<i32>} : memref<64x128xf32, #tpu.memory_space<vmem>>, vector<16xf32>,
      %get3A_318 = arith.constant 29 : i32
      %get3A_319 = arith.index_cast %get3A_318 : i32 to index
      %get3A_320 = arith.index_cast %mul3A_27 : i32 to index
      %get3A_321 = tpu.vector_load %arg10[%get3A_319, %get3A_320] {strides = array<i32>} : memref<64x128xf32, #tpu.memory_space<vmem>>, vector<16xf32>,
      %mul3A_322 = arith.mulf %get3A_317, %get3A_321 : vector<16xf32>
      %add3A_323 = arith.addf %add3A_283, %mul3A_322 : vector<16xf32>
      %get3A_324 = arith.constant 30 : i32
      %get3A_325 = arith.index_cast %get3A_324 : i32 to index
      %get3A_326 = arith.index_cast %mul3A_27 : i32 to index
      %get3A_327 = tpu.vector_load %arg8[%get3A_325, %get3A_326] {strides = array<i32>} : memref<64x128xf32, #tpu.memory_space<vmem>>, vector<16xf32>,
      %get3A_328 = arith.constant 30 : i32
      %get3A_329 = arith.index_cast %get3A_328 : i32 to index
      %get3A_330 = arith.index_cast %mul3A_27 : i32 to index
      %get3A_331 = tpu.vector_load %arg10[%get3A_329, %get3A_330] {strides = array<i32>} : memref<64x128xf32, #tpu.memory_space<vmem>>, vector<16xf32>,
      %mul3A_332 = arith.mulf %get3A_327, %get3A_331 : vector<16xf32>
      %add3A_333 = arith.addf %add3A_293, %mul3A_332 : vector<16xf32>
      %get3A_334 = arith.constant 31 : i32
      %get3A_335 = arith.index_cast %get3A_334 : i32 to index
      %get3A_336 = arith.index_cast %mul3A_27 : i32 to index
      %get3A_337 = tpu.vector_load %arg8[%get3A_335, %get3A_336] {strides = array<i32>} : memref<64x128xf32, #tpu.memory_space<vmem>>, vector<16xf32>,
      %get3A_338 = arith.constant 31 : i32
      %get3A_339 = arith.index_cast %get3A_338 : i32 to index
      %get3A_340 = arith.index_cast %mul3A_27 : i32 to index
      %get3A_341 = tpu.vector_load %arg10[%get3A_339, %get3A_340] {strides = array<i32>} : memref<64x128xf32, #tpu.memory_space<vmem>>, vector<16xf32>,
      %mul3A_342 = arith.mulf %get3A_337, %get3A_341 : vector<16xf32>
      %add3A_343 = arith.addf %add3A_303, %mul3A_342 : vector<16xf32>
      %get3A_344 = arith.constant 32 : i32
      %get3A_345 = arith.index_cast %get3A_344 : i32 to index
      %get3A_346 = arith.index_cast %mul3A_27 : i32 to index
      %get3A_347 = tpu.vector_load %arg8[%get3A_345, %get3A_346] {strides = array<i32>} : memref<64x128xf32, #tpu.memory_space<vmem>>, vector<16xf32>,
      %get3A_348 = arith.constant 32 : i32
      %get3A_349 = arith.index_cast %get3A_348 : i32 to index
      %get3A_350 = arith.index_cast %mul3A_27 : i32 to index
      %get3A_351 = tpu.vector_load %arg10[%get3A_349, %get3A_350] {strides = array<i32>} : memref<64x128xf32, #tpu.memory_space<vmem>>, vector<16xf32>,
      %mul3A_352 = arith.mulf %get3A_347, %get3A_351 : vector<16xf32>
      %add3A_353 = arith.addf %add3A_313, %mul3A_352 : vector<16xf32>
      %get3A_354 = arith.constant 33 : i32
      %get3A_355 = arith.index_cast %get3A_354 : i32 to index
      %get3A_356 = arith.index_cast %mul3A_27 : i32 to index
      %get3A_357 = tpu.vector_load %arg8[%get3A_355, %get3A_356] {strides = array<i32>} : memref<64x128xf32, #tpu.memory_space<vmem>>, vector<16xf32>,
      %get3A_358 = arith.constant 33 : i32
      %get3A_359 = arith.index_cast %get3A_358 : i32 to index
      %get3A_360 = arith.index_cast %mul3A_27 : i32 to index
      %get3A_361 = tpu.vector_load %arg10[%get3A_359, %get3A_360] {strides = array<i32>} : memref<64x128xf32, #tpu.memory_space<vmem>>, vector<16xf32>,
      %mul3A_362 = arith.mulf %get3A_357, %get3A_361 : vector<16xf32>
      %add3A_363 = arith.addf %add3A_323, %mul3A_362 : vector<16xf32>
      %get3A_364 = arith.constant 34 : i32
      %get3A_365 = arith.index_cast %get3A_364 : i32 to index
      %get3A_366 = arith.index_cast %mul3A_27 : i32 to index
      %get3A_367 = tpu.vector_load %arg8[%get3A_365, %get3A_366] {strides = array<i32>} : memref<64x128xf32, #tpu.memory_space<vmem>>, vector<16xf32>,
      %get3A_368 = arith.constant 34 : i32
      %get3A_369 = arith.index_cast %get3A_368 : i32 to index
      %get3A_370 = arith.index_cast %mul3A_27 : i32 to index
      %get3A_371 = tpu.vector_load %arg10[%get3A_369, %get3A_370] {strides = array<i32>} : memref<64x128xf32, #tpu.memory_space<vmem>>, vector<16xf32>,
      %mul3A_372 = arith.mulf %get3A_367, %get3A_371 : vector<16xf32>
      %add3A_373 = arith.addf %add3A_333, %mul3A_372 : vector<16xf32>
      %get3A_374 = arith.constant 35 : i32
      %get3A_375 = arith.index_cast %get3A_374 : i32 to index
      %get3A_376 = arith.index_cast %mul3A_27 : i32 to index
      %get3A_377 = tpu.vector_load %arg8[%get3A_375, %get3A_376] {strides = array<i32>} : memref<64x128xf32, #tpu.memory_space<vmem>>, vector<16xf32>,
      %get3A_378 = arith.constant 35 : i32
      %get3A_379 = arith.index_cast %get3A_378 : i32 to index
      %get3A_380 = arith.index_cast %mul3A_27 : i32 to index
      %get3A_381 = tpu.vector_load %arg10[%get3A_379, %get3A_380] {strides = array<i32>} : memref<64x128xf32, #tpu.memory_space<vmem>>, vector<16xf32>,
      %mul3A_382 = arith.mulf %get3A_377, %get3A_381 : vector<16xf32>
      %add3A_383 = arith.addf %add3A_343, %mul3A_382 : vector<16xf32>
      %get3A_384 = arith.constant 36 : i32
      %get3A_385 = arith.index_cast %get3A_384 : i32 to index
      %get3A_386 = arith.index_cast %mul3A_27 : i32 to index
      %get3A_387 = tpu.vector_load %arg8[%get3A_385, %get3A_386] {strides = array<i32>} : memref<64x128xf32, #tpu.memory_space<vmem>>, vector<16xf32>,
      %get3A_388 = arith.constant 36 : i32
      %get3A_389 = arith.index_cast %get3A_388 : i32 to index
      %get3A_390 = arith.index_cast %mul3A_27 : i32 to index
      %get3A_391 = tpu.vector_load %arg10[%get3A_389, %get3A_390] {strides = array<i32>} : memref<64x128xf32, #tpu.memory_space<vmem>>, vector<16xf32>,
      %mul3A_392 = arith.mulf %get3A_387, %get3A_391 : vector<16xf32>
      %add3A_393 = arith.addf %add3A_353, %mul3A_392 : vector<16xf32>
      %get3A_394 = arith.constant 37 : i32
      %get3A_395 = arith.index_cast %get3A_394 : i32 to index
      %get3A_396 = arith.index_cast %mul3A_27 : i32 to index
      %get3A_397 = tpu.vector_load %arg8[%get3A_395, %get3A_396] {strides = array<i32>} : memref<64x128xf32, #tpu.memory_space<vmem>>, vector<16xf32>,
      %get3A_398 = arith.constant 37 : i32
      %get3A_399 = arith.index_cast %get3A_398 : i32 to index
      %get3A_400 = arith.index_cast %mul3A_27 : i32 to index
      %get3A_401 = tpu.vector_load %arg10[%get3A_399, %get3A_400] {strides = array<i32>} : memref<64x128xf32, #tpu.memory_space<vmem>>, vector<16xf32>,
      %mul3A_402 = arith.mulf %get3A_397, %get3A_401 : vector<16xf32>
      %add3A_403 = arith.addf %add3A_363, %mul3A_402 : vector<16xf32>
      %get3A_404 = arith.constant 38 : i32
      %get3A_405 = arith.index_cast %get3A_404 : i32 to index
      %get3A_406 = arith.index_cast %mul3A_27 : i32 to index
      %get3A_407 = tpu.vector_load %arg8[%get3A_405, %get3A_406] {strides = array<i32>} : memref<64x128xf32, #tpu.memory_space<vmem>>, vector<16xf32>,
      %get3A_408 = arith.constant 38 : i32
      %get3A_409 = arith.index_cast %get3A_408 : i32 to index
      %get3A_410 = arith.index_cast %mul3A_27 : i32 to index
      %get3A_411 = tpu.vector_load %arg10[%get3A_409, %get3A_410] {strides = array<i32>} : memref<64x128xf32, #tpu.memory_space<vmem>>, vector<16xf32>,
      %mul3A_412 = arith.mulf %get3A_407, %get3A_411 : vector<16xf32>
      %add3A_413 = arith.addf %add3A_373, %mul3A_412 : vector<16xf32>
      %get3A_414 = arith.constant 39 : i32
      %get3A_415 = arith.index_cast %get3A_414 : i32 to index
      %get3A_416 = arith.index_cast %mul3A_27 : i32 to index
      %get3A_417 = tpu.vector_load %arg8[%get3A_415, %get3A_416] {strides = array<i32>} : memref<64x128xf32, #tpu.memory_space<vmem>>, vector<16xf32>,
      %get3A_418 = arith.constant 39 : i32
      %get3A_419 = arith.index_cast %get3A_418 : i32 to index
      %get3A_420 = arith.index_cast %mul3A_27 : i32 to index
      %get3A_421 = tpu.vector_load %arg10[%get3A_419, %get3A_420] {strides = array<i32>} : memref<64x128xf32, #tpu.memory_space<vmem>>, vector<16xf32>,
      %mul3A_422 = arith.mulf %get3A_417, %get3A_421 : vector<16xf32>
      %add3A_423 = arith.addf %add3A_383, %mul3A_422 : vector<16xf32>
      %get3A_424 = arith.constant 40 : i32
      %get3A_425 = arith.index_cast %get3A_424 : i32 to index
      %get3A_426 = arith.index_cast %mul3A_27 : i32 to index
      %get3A_427 = tpu.vector_load %arg8[%get3A_425, %get3A_426] {strides = array<i32>} : memref<64x128xf32, #tpu.memory_space<vmem>>, vector<16xf32>,
      %get3A_428 = arith.constant 40 : i32
      %get3A_429 = arith.index_cast %get3A_428 : i32 to index
      %get3A_430 = arith.index_cast %mul3A_27 : i32 to index
      %get3A_431 = tpu.vector_load %arg10[%get3A_429, %get3A_430] {strides = array<i32>} : memref<64x128xf32, #tpu.memory_space<vmem>>, vector<16xf32>,
      %mul3A_432 = arith.mulf %get3A_427, %get3A_431 : vector<16xf32>
      %add3A_433 = arith.addf %add3A_393, %mul3A_432 : vector<16xf32>
      %get3A_434 = arith.constant 41 : i32
      %get3A_435 = arith.index_cast %get3A_434 : i32 to index
      %get3A_436 = arith.index_cast %mul3A_27 : i32 to index
      %get3A_437 = tpu.vector_load %arg8[%get3A_435, %get3A_436] {strides = array<i32>} : memref<64x128xf32, #tpu.memory_space<vmem>>, vector<16xf32>,
      %get3A_438 = arith.constant 41 : i32
      %get3A_439 = arith.index_cast %get3A_438 : i32 to index
      %get3A_440 = arith.index_cast %mul3A_27 : i32 to index
      %get3A_441 = tpu.vector_load %arg10[%get3A_439, %get3A_440] {strides = array<i32>} : memref<64x128xf32, #tpu.memory_space<vmem>>, vector<16xf32>,
      %mul3A_442 = arith.mulf %get3A_437, %get3A_441 : vector<16xf32>
      %add3A_443 = arith.addf %add3A_403, %mul3A_442 : vector<16xf32>
      %get3A_444 = arith.constant 42 : i32
      %get3A_445 = arith.index_cast %get3A_444 : i32 to index
      %get3A_446 = arith.index_cast %mul3A_27 : i32 to index
      %get3A_447 = tpu.vector_load %arg8[%get3A_445, %get3A_446] {strides = array<i32>} : memref<64x128xf32, #tpu.memory_space<vmem>>, vector<16xf32>,
      %get3A_448 = arith.constant 42 : i32
      %get3A_449 = arith.index_cast %get3A_448 : i32 to index
      %get3A_450 = arith.index_cast %mul3A_27 : i32 to index
      %get3A_451 = tpu.vector_load %arg10[%get3A_449, %get3A_450] {strides = array<i32>} : memref<64x128xf32, #tpu.memory_space<vmem>>, vector<16xf32>,
      %mul3A_452 = arith.mulf %get3A_447, %get3A_451 : vector<16xf32>
      %add3A_453 = arith.addf %add3A_413, %mul3A_452 : vector<16xf32>
      %get3A_454 = arith.constant 43 : i32
      %get3A_455 = arith.index_cast %get3A_454 : i32 to index
      %get3A_456 = arith.index_cast %mul3A_27 : i32 to index
      %get3A_457 = tpu.vector_load %arg8[%get3A_455, %get3A_456] {strides = array<i32>} : memref<64x128xf32, #tpu.memory_space<vmem>>, vector<16xf32>,
      %get3A_458 = arith.constant 43 : i32
      %get3A_459 = arith.index_cast %get3A_458 : i32 to index
      %get3A_460 = arith.index_cast %mul3A_27 : i32 to index
      %get3A_461 = tpu.vector_load %arg10[%get3A_459, %get3A_460] {strides = array<i32>} : memref<64x128xf32, #tpu.memory_space<vmem>>, vector<16xf32>,
      %mul3A_462 = arith.mulf %get3A_457, %get3A_461 : vector<16xf32>
      %add3A_463 = arith.addf %add3A_423, %mul3A_462 : vector<16xf32>
      %get3A_464 = arith.constant 44 : i32
      %get3A_465 = arith.index_cast %get3A_464 : i32 to index
      %get3A_466 = arith.index_cast %mul3A_27 : i32 to index
      %get3A_467 = tpu.vector_load %arg8[%get3A_465, %get3A_466] {strides = array<i32>} : memref<64x128xf32, #tpu.memory_space<vmem>>, vector<16xf32>,
      %get3A_468 = arith.constant 44 : i32
      %get3A_469 = arith.index_cast %get3A_468 : i32 to index
      %get3A_470 = arith.index_cast %mul3A_27 : i32 to index
      %get3A_471 = tpu.vector_load %arg10[%get3A_469, %get3A_470] {strides = array<i32>} : memref<64x128xf32, #tpu.memory_space<vmem>>, vector<16xf32>,
      %mul3A_472 = arith.mulf %get3A_467, %get3A_471 : vector<16xf32>
      %add3A_473 = arith.addf %add3A_433, %mul3A_472 : vector<16xf32>
      %get3A_474 = arith.constant 45 : i32
      %get3A_475 = arith.index_cast %get3A_474 : i32 to index
      %get3A_476 = arith.index_cast %mul3A_27 : i32 to index
      %get3A_477 = tpu.vector_load %arg8[%get3A_475, %get3A_476] {strides = array<i32>} : memref<64x128xf32, #tpu.memory_space<vmem>>, vector<16xf32>,
      %get3A_478 = arith.constant 45 : i32
      %get3A_479 = arith.index_cast %get3A_478 : i32 to index
      %get3A_480 = arith.index_cast %mul3A_27 : i32 to index
      %get3A_481 = tpu.vector_load %arg10[%get3A_479, %get3A_480] {strides = array<i32>} : memref<64x128xf32, #tpu.memory_space<vmem>>, vector<16xf32>,
      %mul3A_482 = arith.mulf %get3A_477, %get3A_481 : vector<16xf32>
      %add3A_483 = arith.addf %add3A_443, %mul3A_482 : vector<16xf32>
      %get3A_484 = arith.constant 46 : i32
      %get3A_485 = arith.index_cast %get3A_484 : i32 to index
      %get3A_486 = arith.index_cast %mul3A_27 : i32 to index
      %get3A_487 = tpu.vector_load %arg8[%get3A_485, %get3A_486] {strides = array<i32>} : memref<64x128xf32, #tpu.memory_space<vmem>>, vector<16xf32>,
      %get3A_488 = arith.constant 46 : i32
      %get3A_489 = arith.index_cast %get3A_488 : i32 to index
      %get3A_490 = arith.index_cast %mul3A_27 : i32 to index
      %get3A_491 = tpu.vector_load %arg10[%get3A_489, %get3A_490] {strides = array<i32>} : memref<64x128xf32, #tpu.memory_space<vmem>>, vector<16xf32>,
      %mul3A_492 = arith.mulf %get3A_487, %get3A_491 : vector<16xf32>
      %add3A_493 = arith.addf %add3A_453, %mul3A_492 : vector<16xf32>
      %get3A_494 = arith.constant 47 : i32
      %get3A_495 = arith.index_cast %get3A_494 : i32 to index
      %get3A_496 = arith.index_cast %mul3A_27 : i32 to index
      %get3A_497 = tpu.vector_load %arg8[%get3A_495, %get3A_496] {strides = array<i32>} : memref<64x128xf32, #tpu.memory_space<vmem>>, vector<16xf32>,
      %get3A_498 = arith.constant 47 : i32
      %get3A_499 = arith.index_cast %get3A_498 : i32 to index
      %get3A_500 = arith.index_cast %mul3A_27 : i32 to index
      %get3A_501 = tpu.vector_load %arg10[%get3A_499, %get3A_500] {strides = array<i32>} : memref<64x128xf32, #tpu.memory_space<vmem>>, vector<16xf32>,
      %mul3A_502 = arith.mulf %get3A_497, %get3A_501 : vector<16xf32>
      %add3A_503 = arith.addf %add3A_463, %mul3A_502 : vector<16xf32>
      %get3A_504 = arith.constant 48 : i32
      %get3A_505 = arith.index_cast %get3A_504 : i32 to index
      %get3A_506 = arith.index_cast %mul3A_27 : i32 to index
      %get3A_507 = tpu.vector_load %arg8[%get3A_505, %get3A_506] {strides = array<i32>} : memref<64x128xf32, #tpu.memory_space<vmem>>, vector<16xf32>,
      %get3A_508 = arith.constant 48 : i32
      %get3A_509 = arith.index_cast %get3A_508 : i32 to index
      %get3A_510 = arith.index_cast %mul3A_27 : i32 to index
      %get3A_511 = tpu.vector_load %arg10[%get3A_509, %get3A_510] {strides = array<i32>} : memref<64x128xf32, #tpu.memory_space<vmem>>, vector<16xf32>,
      %mul3A_512 = arith.mulf %get3A_507, %get3A_511 : vector<16xf32>
      %add3A_513 = arith.addf %add3A_473, %mul3A_512 : vector<16xf32>
      %get3A_514 = arith.constant 49 : i32
      %get3A_515 = arith.index_cast %get3A_514 : i32 to index
      %get3A_516 = arith.index_cast %mul3A_27 : i32 to index
      %get3A_517 = tpu.vector_load %arg8[%get3A_515, %get3A_516] {strides = array<i32>} : memref<64x128xf32, #tpu.memory_space<vmem>>, vector<16xf32>,
      %get3A_518 = arith.constant 49 : i32
      %get3A_519 = arith.index_cast %get3A_518 : i32 to index
      %get3A_520 = arith.index_cast %mul3A_27 : i32 to index
      %get3A_521 = tpu.vector_load %arg10[%get3A_519, %get3A_520] {strides = array<i32>} : memref<64x128xf32, #tpu.memory_space<vmem>>, vector<16xf32>,
      %mul3A_522 = arith.mulf %get3A_517, %get3A_521 : vector<16xf32>
      %add3A_523 = arith.addf %add3A_483, %mul3A_522 : vector<16xf32>
      %get3A_524 = arith.constant 50 : i32
      %get3A_525 = arith.index_cast %get3A_524 : i32 to index
      %get3A_526 = arith.index_cast %mul3A_27 : i32 to index
      %get3A_527 = tpu.vector_load %arg8[%get3A_525, %get3A_526] {strides = array<i32>} : memref<64x128xf32, #tpu.memory_space<vmem>>, vector<16xf32>,
      %get3A_528 = arith.constant 50 : i32
      %get3A_529 = arith.index_cast %get3A_528 : i32 to index
      %get3A_530 = arith.index_cast %mul3A_27 : i32 to index
      %get3A_531 = tpu.vector_load %arg10[%get3A_529, %get3A_530] {strides = array<i32>} : memref<64x128xf32, #tpu.memory_space<vmem>>, vector<16xf32>,
      %mul3A_532 = arith.mulf %get3A_527, %get3A_531 : vector<16xf32>
      %add3A_533 = arith.addf %add3A_493, %mul3A_532 : vector<16xf32>
      %get3A_534 = arith.constant 51 : i32
      %get3A_535 = arith.index_cast %get3A_534 : i32 to index
      %get3A_536 = arith.index_cast %mul3A_27 : i32 to index
      %get3A_537 = tpu.vector_load %arg8[%get3A_535, %get3A_536] {strides = array<i32>} : memref<64x128xf32, #tpu.memory_space<vmem>>, vector<16xf32>,
      %get3A_538 = arith.constant 51 : i32
      %get3A_539 = arith.index_cast %get3A_538 : i32 to index
      %get3A_540 = arith.index_cast %mul3A_27 : i32 to index
      %get3A_541 = tpu.vector_load %arg10[%get3A_539, %get3A_540] {strides = array<i32>} : memref<64x128xf32, #tpu.memory_space<vmem>>, vector<16xf32>,
      %mul3A_542 = arith.mulf %get3A_537, %get3A_541 : vector<16xf32>
      %add3A_543 = arith.addf %add3A_503, %mul3A_542 : vector<16xf32>
      %get3A_544 = arith.constant 52 : i32
      %get3A_545 = arith.index_cast %get3A_544 : i32 to index
      %get3A_546 = arith.index_cast %mul3A_27 : i32 to index
      %get3A_547 = tpu.vector_load %arg8[%get3A_545, %get3A_546] {strides = array<i32>} : memref<64x128xf32, #tpu.memory_space<vmem>>, vector<16xf32>,
      %get3A_548 = arith.constant 52 : i32
      %get3A_549 = arith.index_cast %get3A_548 : i32 to index
      %get3A_550 = arith.index_cast %mul3A_27 : i32 to index
      %get3A_551 = tpu.vector_load %arg10[%get3A_549, %get3A_550] {strides = array<i32>} : memref<64x128xf32, #tpu.memory_space<vmem>>, vector<16xf32>,
      %mul3A_552 = arith.mulf %get3A_547, %get3A_551 : vector<16xf32>
      %add3A_553 = arith.addf %add3A_513, %mul3A_552 : vector<16xf32>
      %get3A_554 = arith.constant 53 : i32
      %get3A_555 = arith.index_cast %get3A_554 : i32 to index
      %get3A_556 = arith.index_cast %mul3A_27 : i32 to index
      %get3A_557 = tpu.vector_load %arg8[%get3A_555, %get3A_556] {strides = array<i32>} : memref<64x128xf32, #tpu.memory_space<vmem>>, vector<16xf32>,
      %get3A_558 = arith.constant 53 : i32
      %get3A_559 = arith.index_cast %get3A_558 : i32 to index
      %get3A_560 = arith.index_cast %mul3A_27 : i32 to index
      %get3A_561 = tpu.vector_load %arg10[%get3A_559, %get3A_560] {strides = array<i32>} : memref<64x128xf32, #tpu.memory_space<vmem>>, vector<16xf32>,
      %mul3A_562 = arith.mulf %get3A_557, %get3A_561 : vector<16xf32>
      %add3A_563 = arith.addf %add3A_523, %mul3A_562 : vector<16xf32>
      %get3A_564 = arith.constant 54 : i32
      %get3A_565 = arith.index_cast %get3A_564 : i32 to index
      %get3A_566 = arith.index_cast %mul3A_27 : i32 to index
      %get3A_567 = tpu.vector_load %arg8[%get3A_565, %get3A_566] {strides = array<i32>} : memref<64x128xf32, #tpu.memory_space<vmem>>, vector<16xf32>,
      %get3A_568 = arith.constant 54 : i32
      %get3A_569 = arith.index_cast %get3A_568 : i32 to index
      %get3A_570 = arith.index_cast %mul3A_27 : i32 to index
      %get3A_571 = tpu.vector_load %arg10[%get3A_569, %get3A_570] {strides = array<i32>} : memref<64x128xf32, #tpu.memory_space<vmem>>, vector<16xf32>,
      %mul3A_572 = arith.mulf %get3A_567, %get3A_571 : vector<16xf32>
      %add3A_573 = arith.addf %add3A_533, %mul3A_572 : vector<16xf32>
      %get3A_574 = arith.constant 55 : i32
      %get3A_575 = arith.index_cast %get3A_574 : i32 to index
      %get3A_576 = arith.index_cast %mul3A_27 : i32 to index
      %get3A_577 = tpu.vector_load %arg8[%get3A_575, %get3A_576] {strides = array<i32>} : memref<64x128xf32, #tpu.memory_space<vmem>>, vector<16xf32>,
      %get3A_578 = arith.constant 55 : i32
      %get3A_579 = arith.index_cast %get3A_578 : i32 to index
      %get3A_580 = arith.index_cast %mul3A_27 : i32 to index
      %get3A_581 = tpu.vector_load %arg10[%get3A_579, %get3A_580] {strides = array<i32>} : memref<64x128xf32, #tpu.memory_space<vmem>>, vector<16xf32>,
      %mul3A_582 = arith.mulf %get3A_577, %get3A_581 : vector<16xf32>
      %add3A_583 = arith.addf %add3A_543, %mul3A_582 : vector<16xf32>
      %get3A_584 = arith.constant 56 : i32
      %get3A_585 = arith.index_cast %get3A_584 : i32 to index
      %get3A_586 = arith.index_cast %mul3A_27 : i32 to index
      %get3A_587 = tpu.vector_load %arg8[%get3A_585, %get3A_586] {strides = array<i32>} : memref<64x128xf32, #tpu.memory_space<vmem>>, vector<16xf32>,
      %get3A_588 = arith.constant 56 : i32
      %get3A_589 = arith.index_cast %get3A_588 : i32 to index
      %get3A_590 = arith.index_cast %mul3A_27 : i32 to index
      %get3A_591 = tpu.vector_load %arg10[%get3A_589, %get3A_590] {strides = array<i32>} : memref<64x128xf32, #tpu.memory_space<vmem>>, vector<16xf32>,
      %mul3A_592 = arith.mulf %get3A_587, %get3A_591 : vector<16xf32>
      %add3A_593 = arith.addf %add3A_553, %mul3A_592 : vector<16xf32>
      %get3A_594 = arith.constant 57 : i32
      %get3A_595 = arith.index_cast %get3A_594 : i32 to index
      %get3A_596 = arith.index_cast %mul3A_27 : i32 to index
      %get3A_597 = tpu.vector_load %arg8[%get3A_595, %get3A_596] {strides = array<i32>} : memref<64x128xf32, #tpu.memory_space<vmem>>, vector<16xf32>,
      %get3A_598 = arith.constant 57 : i32
      %get3A_599 = arith.index_cast %get3A_598 : i32 to index
      %get3A_600 = arith.index_cast %mul3A_27 : i32 to index
      %get3A_601 = tpu.vector_load %arg10[%get3A_599, %get3A_600] {strides = array<i32>} : memref<64x128xf32, #tpu.memory_space<vmem>>, vector<16xf32>,
      %mul3A_602 = arith.mulf %get3A_597, %get3A_601 : vector<16xf32>
      %add3A_603 = arith.addf %add3A_563, %mul3A_602 : vector<16xf32>
      %get3A_604 = arith.constant 58 : i32
      %get3A_605 = arith.index_cast %get3A_604 : i32 to index
      %get3A_606 = arith.index_cast %mul3A_27 : i32 to index
      %get3A_607 = tpu.vector_load %arg8[%get3A_605, %get3A_606] {strides = array<i32>} : memref<64x128xf32, #tpu.memory_space<vmem>>, vector<16xf32>,
      %get3A_608 = arith.constant 58 : i32
      %get3A_609 = arith.index_cast %get3A_608 : i32 to index
      %get3A_610 = arith.index_cast %mul3A_27 : i32 to index
      %get3A_611 = tpu.vector_load %arg10[%get3A_609, %get3A_610] {strides = array<i32>} : memref<64x128xf32, #tpu.memory_space<vmem>>, vector<16xf32>,
      %mul3A_612 = arith.mulf %get3A_607, %get3A_611 : vector<16xf32>
      %add3A_613 = arith.addf %add3A_573, %mul3A_612 : vector<16xf32>
      %get3A_614 = arith.constant 59 : i32
      %get3A_615 = arith.index_cast %get3A_614 : i32 to index
      %get3A_616 = arith.index_cast %mul3A_27 : i32 to index
      %get3A_617 = tpu.vector_load %arg8[%get3A_615, %get3A_616] {strides = array<i32>} : memref<64x128xf32, #tpu.memory_space<vmem>>, vector<16xf32>,
      %get3A_618 = arith.constant 59 : i32
      %get3A_619 = arith.index_cast %get3A_618 : i32 to index
      %get3A_620 = arith.index_cast %mul3A_27 : i32 to index
      %get3A_621 = tpu.vector_load %arg10[%get3A_619, %get3A_620] {strides = array<i32>} : memref<64x128xf32, #tpu.memory_space<vmem>>, vector<16xf32>,
      %mul3A_622 = arith.mulf %get3A_617, %get3A_621 : vector<16xf32>
      %add3A_623 = arith.addf %add3A_583, %mul3A_622 : vector<16xf32>
      %get3A_624 = arith.constant 60 : i32
      %get3A_625 = arith.index_cast %get3A_624 : i32 to index
      %get3A_626 = arith.index_cast %mul3A_27 : i32 to index
      %get3A_627 = tpu.vector_load %arg8[%get3A_625, %get3A_626] {strides = array<i32>} : memref<64x128xf32, #tpu.memory_space<vmem>>, vector<16xf32>,
      %get3A_628 = arith.constant 60 : i32
      %get3A_629 = arith.index_cast %get3A_628 : i32 to index
      %get3A_630 = arith.index_cast %mul3A_27 : i32 to index
      %get3A_631 = tpu.vector_load %arg10[%get3A_629, %get3A_630] {strides = array<i32>} : memref<64x128xf32, #tpu.memory_space<vmem>>, vector<16xf32>,
      %mul3A_632 = arith.mulf %get3A_627, %get3A_631 : vector<16xf32>
      %add3A_633 = arith.addf %add3A_593, %mul3A_632 : vector<16xf32>
      %get3A_634 = arith.constant 61 : i32
      %get3A_635 = arith.index_cast %get3A_634 : i32 to index
      %get3A_636 = arith.index_cast %mul3A_27 : i32 to index
      %get3A_637 = tpu.vector_load %arg8[%get3A_635, %get3A_636] {strides = array<i32>} : memref<64x128xf32, #tpu.memory_space<vmem>>, vector<16xf32>,
      %get3A_638 = arith.constant 61 : i32
      %get3A_639 = arith.index_cast %get3A_638 : i32 to index
      %get3A_640 = arith.index_cast %mul3A_27 : i32 to index
      %get3A_641 = tpu.vector_load %arg10[%get3A_639, %get3A_640] {strides = array<i32>} : memref<64x128xf32, #tpu.memory_space<vmem>>, vector<16xf32>,
      %mul3A_642 = arith.mulf %get3A_637, %get3A_641 : vector<16xf32>
      %add3A_643 = arith.addf %add3A_603, %mul3A_642 : vector<16xf32>
      %get3A_644 = arith.constant 62 : i32
      %get3A_645 = arith.index_cast %get3A_644 : i32 to index
      %get3A_646 = arith.index_cast %mul3A_27 : i32 to index
      %get3A_647 = tpu.vector_load %arg8[%get3A_645, %get3A_646] {strides = array<i32>} : memref<64x128xf32, #tpu.memory_space<vmem>>, vector<16xf32>,
      %get3A_648 = arith.constant 62 : i32
      %get3A_649 = arith.index_cast %get3A_648 : i32 to index
      %get3A_650 = arith.index_cast %mul3A_27 : i32 to index
      %get3A_651 = tpu.vector_load %arg10[%get3A_649, %get3A_650] {strides = array<i32>} : memref<64x128xf32, #tpu.memory_space<vmem>>, vector<16xf32>,
      %mul3A_652 = arith.mulf %get3A_647, %get3A_651 : vector<16xf32>
      %add3A_653 = arith.addf %add3A_613, %mul3A_652 : vector<16xf32>
      %get3A_654 = arith.constant 63 : i32
      %get3A_655 = arith.index_cast %get3A_654 : i32 to index
      %get3A_656 = arith.index_cast %mul3A_27 : i32 to index
      %get3A_657 = tpu.vector_load %arg8[%get3A_655, %get3A_656] {strides = array<i32>} : memref<64x128xf32, #tpu.memory_space<vmem>>, vector<16xf32>,
      %get3A_658 = arith.constant 63 : i32
      %get3A_659 = arith.index_cast %get3A_658 : i32 to index
      %get3A_660 = arith.index_cast %mul3A_27 : i32 to index
      %get3A_661 = tpu.vector_load %arg10[%get3A_659, %get3A_660] {strides = array<i32>} : memref<64x128xf32, #tpu.memory_space<vmem>>, vector<16xf32>,
      %mul3A_662 = arith.mulf %get3A_657, %get3A_661 : vector<16xf32>
      %add3A_663 = arith.addf %add3A_623, %mul3A_662 : vector<16xf32>
      %add3A_664 = arith.constant 0 : i32
      %add3A_665 = arith.addi %add3A_664, %mul3A_27 : i32
      %add3A_666 = arith.addf %add3A_633, %add3A_643 : vector<16xf32>
      %add3A_667 = arith.addf %add3A_653, %add3A_663 : vector<16xf32>
      %add3A_668 = arith.addf %add3A_666, %add3A_667 : vector<16xf32>
      %get3A_669 = arith.constant 0 : i32
      %get3A_670 = arith.index_cast %get3A_669 : i32 to index
      %get3A_671 = arith.index_cast %add3A_665 : i32 to index
      %get3A_672 = tpu.vector_load %arg12[%get3A_670, %get3A_671] {strides = array<i32>} : memref<1x128xf32, #tpu.memory_space<vmem>>, vector<16xf32>,
      %add3A_673 = arith.addf %add3A_668, %get3A_672 : vector<16xf32>
      %get3A_674 = arith.constant 0 : i32
      %get3A_675 = arith.index_cast %get3A_674 : i32 to index
      %get3A_676 = arith.index_cast %add3A_665 : i32 to index
      %get3A_677 = tpu.vector_load %arg13[%get3A_675, %get3A_676] {strides = array<i32>} : memref<1x128xf32, #tpu.memory_space<vmem>>, vector<16xf32>,
      %add3A_678 = arith.addf %add3A_673, %get3A_677 : vector<16xf32>
      %add3A_679 = arith.addf %add3A_678, %get3A_3 : vector<16xf32>
      %swap3A = arith.index_cast %add3A_665 : i32 to index
      %swap3A_680 = tpu.vector_load %arg15[%swap3A] {strides = array<i32>} : memref<128xf32, #tpu.memory_space<vmem>>, vector<16xf32>,
      tpu.vector_store %arg15[%swap3A], %add3A_679 {strides = array<i32>} : memref<128xf32, #tpu.memory_space<vmem>>, vector<16xf32>,
    }
    %scan3A_24 = arith.constant 8 : i32
    "tpu.region"() ({
      %run_scoped3A = tpu.sem_alloc : memref<!tpu.dma_semaphore, #tpu.memory_space<semaphore_mem>>
      %dma_start3A_25 = tpu.memref_slice %arg7[%mul3A_2] : memref<4096xf32, #tpu.memory_space<hbm>> -> memref<128xf32, #tpu.memory_space<hbm>>
      %dma_start3A_26 = tpu.memref_slice %arg7[%mul3A_2] : memref<4096xf32, #tpu.memory_space<hbm>> -> memref<128xf32, #tpu.memory_space<hbm>>
      tpu.enqueue_dma source(%arg15 : memref<128xf32, #tpu.memory_space<vmem>>) target(%dma_start3A_26 : memref<128xf32, #tpu.memory_space<hbm>>) target_semaphore(%run_scoped3A : memref<!tpu.dma_semaphore, #tpu.memory_space<semaphore_mem>>)
      %dma_wait3A_27 = tpu.memref_slice %arg7[%mul3A_2] : memref<4096xf32, #tpu.memory_space<hbm>> -> memref<128xf32, #tpu.memory_space<hbm>>
      %dma_wait3A_28 = tpu.memref_slice %arg7[%mul3A_2] : memref<4096xf32, #tpu.memory_space<hbm>> -> memref<128xf32, #tpu.memory_space<hbm>>
      tpu.wait_dma2 semaphore(%run_scoped3A : memref<!tpu.dma_semaphore, #tpu.memory_space<semaphore_mem>>) src(%arg15 : memref<128xf32, #tpu.memory_space<vmem>>) dst(%dma_wait3A_28 : memref<128xf32, #tpu.memory_space<hbm>>)
      tpu.yield
    }) : () -> ()
    return
  }
}

module attributes {stable_mosaic.version = 14 : i64} {
  func.func @_tc_body(%arg0: i32, %arg1: memref<64x2048xf32, #tpu.memory_space<vmem>>, %arg2: memref<64x2048xf32, #tpu.memory_space<vmem>>, %arg3: memref<1x2048xf32, #tpu.memory_space<vmem>>, %arg4: memref<1x2048xf32, #tpu.memory_space<vmem>>, %arg5: memref<1x1xf32, #tpu.memory_space<vmem>>, %arg6: memref<2048xf32, #tpu.memory_space<vmem>>) attributes {dimension_semantics = [#tpu.dimension_semantics<arbitrary>], iteration_bounds = array<i64: 6>, scalar_prefetch = 0 : i64, scratch_operands = 0 : i64, tpu.core_type = #tpu.core_type<tc>, window_params = [{transform_indices = @transform_0, window_bounds = array<i64: 64, 2048>}, {transform_indices = @transform_1, window_bounds = array<i64: 64, 2048>}, {transform_indices = @transform_2, window_bounds = array<i64: 1, 2048>}, {transform_indices = @transform_3, window_bounds = array<i64: 1, 2048>}, {pipeline_mode = #tpu.pipeline_mode<synchronous>, transform_indices = @transform_4, window_bounds = array<i64: 1, 1>}, {transform_indices = @transform_5, window_bounds = array<i64: 2048>}]} {
    %get3A = arith.constant 0 : index
    %get3A_0 = arith.constant 0 : index
    %get3A_1 = vector.load %arg1[%get3A, %get3A_0] : memref<64x2048xf32, #tpu.memory_space<vmem>>, vector<64x2048xf32>
    %get3A_2 = arith.constant 0 : index
    %get3A_3 = arith.constant 0 : index
    %get3A_4 = vector.load %arg2[%get3A_2, %get3A_3] : memref<64x2048xf32, #tpu.memory_space<vmem>>, vector<64x2048xf32>
    %mul3A = arith.mulf %get3A_1, %get3A_4 : vector<64x2048xf32>
    %reduce_sum3A = arith.constant dense<0.000000e+00> : vector<2048xf32>
    %reduce_sum3A_5 = vector.multi_reduction <add>, %mul3A, %reduce_sum3A [0] : vector<64x2048xf32> to vector<2048xf32>
    %get3A_6 = arith.constant 0 : index
    %get3A_7 = arith.constant 0 : index
    %get3A_8 = vector.load %arg3[%get3A_6, %get3A_7] : memref<1x2048xf32, #tpu.memory_space<vmem>>, vector<1x2048xf32>
    %get3A_9 = vector.shape_cast %get3A_8 : vector<1x2048xf32> to vector<2048xf32>
    %add3A = arith.addf %reduce_sum3A_5, %get3A_9 : vector<2048xf32>
    %get3A_10 = arith.constant 0 : index
    %get3A_11 = arith.constant 0 : index
    %get3A_12 = vector.load %arg4[%get3A_10, %get3A_11] : memref<1x2048xf32, #tpu.memory_space<vmem>>, vector<1x2048xf32>
    %get3A_13 = vector.shape_cast %get3A_12 : vector<1x2048xf32> to vector<2048xf32>
    %add3A_14 = arith.addf %add3A, %get3A_13 : vector<2048xf32>
    %get3A_15 = arith.constant 0 : index
    %get3A_16 = arith.constant 0 : index
    %get3A_17 = vector.load %arg5[%get3A_15, %get3A_16] : memref<1x1xf32, #tpu.memory_space<vmem>>, vector<1x1xf32>
    %get3A_18 = vector.extract %get3A_17[0, 0] : f32 from vector<1x1xf32>
    %add3A_19 = vector.broadcast %get3A_18 : f32 to vector<2048xf32>
    %add3A_20 = arith.addf %add3A_14, %add3A_19 : vector<2048xf32>
    %swap3A = arith.constant 0 : index
    %swap3A_21 = vector.load %arg6[%swap3A] : memref<2048xf32, #tpu.memory_space<vmem>>, vector<2048xf32>
    tpu.vector_store %arg6[%swap3A], %add3A_20 {strides = array<i32>} : memref<2048xf32, #tpu.memory_space<vmem>>, vector<2048xf32>,
    return
  }
  func.func @transform_0(%arg0: i32) -> (i32, i32) {
    %add3A = arith.constant 2 : i32
    %add3A_0 = arith.addi %arg0, %add3A : i32
    %c0_i32 = arith.constant 0 : i32
    %c0_i32_1 = arith.constant 0 : i32
    return %c0_i32, %add3A_0 : i32, i32
  }
  func.func @transform_1(%arg0: i32) -> (i32, i32) {
    %add3A = arith.constant 2 : i32
    %add3A_0 = arith.addi %arg0, %add3A : i32
    %c0_i32 = arith.constant 0 : i32
    %c0_i32_1 = arith.constant 0 : i32
    return %c0_i32, %add3A_0 : i32, i32
  }
  func.func @transform_2(%arg0: i32) -> (i32, i32) {
    %add3A = arith.constant 2 : i32
    %add3A_0 = arith.addi %arg0, %add3A : i32
    %c0_i32 = arith.constant 0 : i32
    %c0_i32_1 = arith.constant 0 : i32
    return %c0_i32, %add3A_0 : i32, i32
  }
  func.func @transform_3(%arg0: i32) -> (i32, i32) {
    %add3A = arith.constant 2 : i32
    %add3A_0 = arith.addi %arg0, %add3A : i32
    %c0_i32 = arith.constant 0 : i32
    %c0_i32_1 = arith.constant 0 : i32
    return %c0_i32, %add3A_0 : i32, i32
  }
  func.func @transform_4(%arg0: i32) -> (i32, i32) {
    %c0_i32 = arith.constant 0 : i32
    %c0_i32_0 = arith.constant 0 : i32
    %c0_i32_1 = arith.constant 0 : i32
    return %c0_i32, %c0_i32_0 : i32, i32
  }
  func.func @transform_5(%arg0: i32) -> i32 {
    %c0_i32 = arith.constant 0 : i32
    return %arg0 : i32
  }
}

</mosaic_0001>

<sc_bundles>
// kernel: kernel.4.cloned.1.call-start
scs
__scs_entry_jumppad:
0x0: {  	(pc) =	sbr.rel $0x88, $3  }
0x1: {  	(tag) =	ssettag $0x0;
	lr =	simm.s32 $0x1  }
0x2: {  	[smem:$0x3F9C] =	sst lr;
	_ =	strace $0xD0000000  }
0x3: {  	_ = 	snop  }
0x4: {  	_ = 	snop  }
0x5: {  	_ = 	snop  }
0x6: {  	_ = 	snop  }
0x7: {  	_ = 	snop  }
__scs_overlays_trampoline_lowered:
0x8: {  	[smem:$0x3FAB] =	sst s0  }
0x9: {  	[smem:$0x3FAC] =	sst s1  }
0xa: {  	[smem:$0x3FAD] =	sst s2  }
0xb: {  	[smem:$0x3FAE] =	sst s3  }
0xc: {  	[smem:$0x3FAF] =	sst s4  }
0xd: {  	[smem:$0x3FB0] =	sst s5  }
0xe: {  	[smem:$0x3FB1] =	sst s6  }
0xf: {  	[smem:$0x3FB2] =	sst s7  }
0x10: {  	[smem:$0x3FB3] =	sst s8  }
0x11: {  	[smem:$0x3FB4] =	sst s9;
	s0 =	simm.s32 @!p0 $0x0  }
0x12: {  	s1 =	sld [smem:$0x3F9A];
	s0 =	simm.s32 @p0 $0x1  }
0x13: {  	[smem:$0x3FB5] =	sst s0;
	s0 =	simm.s32 @!p1 $0x0  }
0x14: {  	s2 =	sld [smem:$0x3F99];
	s0 =	simm.s32 @p1 $0x1  }
0x15: {  	[smem:$0x3FB6] =	sst s0;
	s0 =	simm.s32 @!p2 $0x0  }
0x16: {  	s3 =	sld [smem:$0x3FDB];
	s0 =	simm.s32 @p2 $0x1  }
0x17: {  	s4 =	simm.s32 $0x1BF5;
	[smem:$0x3FB8] =	sst s0  }
0x18: {  	s0 =	sld [smem:$0x3F9B];
	_ =	swait.ge [sflag:s4], $0x0  }
0x19: {  	s7 =	sld [smem:$0x3F9C]  }
0x1a: {  	s8 =	sadd.s32 $0xFFFFE003, lr  }
0x1b: {  	s9 =	sadd.s32 $0xFFFFFEF7, lr;
	s5 =	simm.s32 $0xFFFFFFFF;
	p2 =	slt.u32 s8, $0xFFFFF086  }
0x1c: {  	p1 =	slt.u32 s9, $0xF7A;
	s5 =	simm.s32 @!p2 $0x0  }
0x1d: {  	s5 =	simm.s32 @p1 $0x1;
	p0 =	seq.s32 s7, s2  }
0x1e: {  	s7 =	smul.u32 @!p0 $0xF7A, s2;
	p2 =	seq.s32 @!p0 s5, $0x0  }
0x1f: {  	s9 =	smul.u32 $0xF7A, s1;
	s8 =	simm.s32 @!p0 $0x1BF5;
	p2 =	por !p2, p0  }
0x20: {  	[sflag:s8] =	ssyncset.s32 @!p0 $0xFFFFF086;
	s6 =	sadd.s32 @!p0 s3, s7;
	s7 =	simm.s32 @!p0 $0x108  }
0x21: {  	s3 =	sadd.s32 s3, s9;
	s6 =	sadd.s32 @!p0 $0x88, s6;
	s7 =	simm.s32 @p2 $0x1082  }
0x22: {  	[simem:s7], [sflag:s8] =	dma.local @!p0 [hbm:s6], $0xF7A  }
0x23: {  	s9 =	sor.u32 $0xD0000000, s2;
	s6 =	simm.s32 $0x108;
	_ =	swait.ge @!p0 [sflag:s8], $0x0  }
0x24: {  	s3 =	sadd.s32 $0x88, s3;
	s6 =	simm.s32 @!p1 $0x1082;
	[sflag:s4] =	ssyncset.s32 $0xFFFFF086  }
0x25: {  	[simem:s6], [sflag:s4] =	dma.local [hbm:s3], $0xF7A  }
0x26: {  	[smem:$0x3F9C] =	sst s1;
	(tag) =	ssettag s2;
	_ =	strace s9  }
0x27: {  	s1 =	sld [smem:$0x3FAC]  }
0x28: {  	s2 =	sld [smem:$0x3FAD]  }
0x29: {  	s4 =	sld [smem:$0x3FAF]  }
0x2a: {  	p0 =	seq.s32 s5, $0x0;
	s5 =	sld [smem:$0x3FB0]  }
0x2b: {  	s6 =	sld [smem:$0x3FB1]  }
0x2c: {  	s7 =	sld [smem:$0x3FB2]  }
0x2d: {  	s3 =	simm.s32 $0x108;
	s8 =	sld [smem:$0x3FB3]  }
0x2e: {  	s3 =	simm.s32 @!p0 $0x1082;
	s9 =	sld [smem:$0x3FB4]  }
0x2f: {  	lr =	sadd.s32 s0, s3;
	s0 =	sld [smem:$0x3FAB]  }
0x30: {  	s3 =	sld [smem:$0x3FAE]  }
0x31: {  	[smem:$0x3FB7] =	sst s10  }
0x32: {  	s10 =	sld [smem:$0x3FB5];
	_ =	sdelay $0x3  }
0x33: {  	p0 =	seq.s32 s10, $0x1;
	s10 =	sld [smem:$0x3FB7];
	_ =	sdelay $0x3  }
0x34: {  	[smem:$0x3FB7] =	sst s10  }
0x35: {  	s10 =	sld [smem:$0x3FB6];
	_ =	sdelay $0x3  }
0x36: {  	p1 =	seq.s32 s10, $0x1;
	s10 =	sld [smem:$0x3FB7];
	_ =	sdelay $0x3  }
0x37: {  	[smem:$0x3FB7] =	sst s10  }
0x38: {  	s10 =	sld [smem:$0x3FB8]  }
0x39: {  	_ = 	snop;
	(pc) =	sbr.ind lr, $3  }
0x3a: {  	_ = 	snop  }
0x3b: {  	_ = 	snop  }
0x3c: {  	p2 =	seq.s32 s10, $0x1;
	s10 =	sld [smem:$0x3FB7]  }
0x3d: {  	_ =	shalt  }
0x3e: {  	_ =	shalt  }
0x3f: {  	_ =	shalt  }
0x40: {  	_ =	shalt  }
0x41: {  	_ =	shalt  }
0x42: {  	_ =	shalt  }
0x43: {  	_ =	shalt  }
0x44: {  	_ =	shalt  }
0x45: {  	_ =	shalt  }
0x46: {  	_ =	shalt  }
0x47: {  	_ =	shalt  }
0x48: {  	_ =	shalt  }
0x49: {  	_ =	shalt  }
0x4a: {  	_ =	shalt  }
0x4b: {  	_ =	shalt  }
0x4c: {  	_ =	shalt  }
0x4d: {  	_ =	shalt  }
0x4e: {  	_ =	shalt  }
0x4f: {  	_ =	shalt  }
0x50: {  	_ =	shalt  }
0x51: {  	_ =	shalt  }
0x52: {  	_ =	shalt  }
0x53: {  	_ =	shalt  }
0x54: {  	_ =	shalt  }
0x55: {  	_ =	shalt  }
0x56: {  	_ =	shalt  }
0x57: {  	_ =	shalt  }
0x58: {  	_ =	shalt  }
0x59: {  	_ =	shalt  }
0x5a: {  	_ =	shalt  }
0x5b: {  	_ =	shalt  }
0x5c: {  	_ =	shalt  }
0x5d: {  	_ =	shalt  }
0x5e: {  	_ =	shalt  }
0x5f: {  	_ =	shalt  }
0x60: {  	_ =	shalt  }
0x61: {  	_ =	shalt  }
0x62: {  	_ =	shalt  }
0x63: {  	_ =	shalt  }
0x64: {  	_ =	shalt  }
0x65: {  	_ =	shalt  }
0x66: {  	_ =	shalt  }
0x67: {  	_ =	shalt  }
0x68: {  	_ =	shalt  }
0x69: {  	_ =	shalt  }
0x6a: {  	_ =	shalt  }
0x6b: {  	_ =	shalt  }
0x6c: {  	_ =	shalt  }
0x6d: {  	_ =	shalt  }
0x6e: {  	_ =	shalt  }
0x6f: {  	_ =	shalt  }
0x70: {  	_ =	shalt  }
0x71: {  	_ =	shalt  }
0x72: {  	_ =	shalt  }
0x73: {  	_ =	shalt  }
0x74: {  	_ =	shalt  }
0x75: {  	_ =	shalt  }
0x76: {  	_ =	shalt  }
0x77: {  	_ =	shalt  }
0x78: {  	_ =	shalt  }
0x79: {  	_ =	shalt  }
0x7a: {  	_ =	shalt  }
0x7b: {  	_ =	shalt  }
0x7c: {  	_ =	shalt  }
0x7d: {  	_ =	shalt  }
0x7e: {  	_ =	shalt  }
0x7f: {  	_ =	shalt  }
0x80: {  	_ =	shalt  }
0x81: {  	_ =	shalt  }
0x82: {  	_ =	shalt  }
0x83: {  	_ =	shalt  }
0x84: {  	_ =	shalt  }
0x85: {  	_ =	shalt  }
0x86: {  	_ =	shalt  }
0x87: {  	_ =	shalt  }
.Lfunc_end0:
.L_simem_size_0:
called_computation_lowered:
.L_overlay_start_0:
0x88: {  	s2 =	sld [smem:$0x3FD9]  }
0x89: {  	s3 =	sld [smem:$0x3FFE];
	_ =	sdelay $0x1  }
0x8a: {  	s1 =	srdreg.scid  }
0x8b: {  	s0 =	sand.u32 $0x1, s1  }
0x8c: {  	s17 =	sshll.u32 s0, $0xA;
	s2 =	sadd.s32 s3, s2  }
0x8d: {  	s2 =	sadd.s32 s2, s17  }
0x8e: {  	[smem:$0x3FC3] =	sst s2  }
0x8f: {  	_ = 	snop  }
0x90: {  	s2 =	sld [smem:$0x3FC9]  }
0x91: {  	s18 =	sld [smem:$0x3FC8]  }
0x92: {  	s4 =	sld [smem:$0x3FC7]  }
0x93: {  	s5 =	sld [smem:$0x3FC6];
	(tm) =	ssettm $0x1  }
0x94: {  	s6 =	sld [smem:$0x3FFB];
	_ =	sdelay $0x3  }
0x95: {  	_ =	strace s6  }
0x96: {  	s6 =	sld [smem:$0x3FFC];
	_ =	sdelay $0x3  }
0x97: {  	_ =	strace s6  }
0x98: {  	s6 =	sld [smem:$0x3FFD];
	_ =	sdelay $0x3  }
0x99: {  	_ =	strace s6  }
0x9a: {  	_ =	strace $0x8FFFFFFF  }
0x9b: {  	s19 =	sld [smem:$0x3FDB];
	_ =	sdelay $0x1  }
0x9c: {  	s7 =	simm.s32 $_scs_section_size  }
0x9d: {  	s8 =	simm.s32 $_size__tile_overlayer_lowered;
	s9 =	simm.s32 $_tile_overlayer_lowered  }
0x9e: {  	s22 =	simm.s32 $0x1BFF;
	s21 =	sshll.u32 s9, $0x1;
	s6 =	sadd.s32 s7, s19  }
0x9f: {  	s10 =	simm.s32 $0x0;
	s20 =	sshll.u32 s8, $0x1;
	s8 =	sadd.s32 s21, s6  }
0xa0: {  	[timem:s10], [sflag:s22] =	dma.local [hbm:s8], s20  }
0xa1: {  	_ =	swait.ge [sflag:s22], s20  }
0xa2: {  	s7 =	ssub.s32 $0x0, s20;
	[sflag:s22] =	ssyncset.done $0x0  }
0xa3: {  	[sflag:s22] =	ssyncadd.s32 s7;
	_ =	sdelay $0x1  }
0xa4: {  	s23 =	simm.s32 $0x1B8B  }
0xa5: {  	_ =	swait.ge [sflag:s23], $0x1  }
0xa6: {  	[sflag:s23] =	ssyncset.done $0x0  }
0xa7: {  	s25 =	simm.s32 $0x1B8E;
	s24 =	sld [smem:$0x3FFE];
	[sflag:s23] =	ssyncadd.s32 $0xFFFFFFFF  }
0xa8: {  	s26 =	simm.s32 $execute0_lowered;
	[smem:$0x3FD2] =	sst s25  }
0xa9: {  	s8 =	sshll.u32 s26, $0x1;
	_ =	strace $0x80000046;
	[dreg:$0x1] =	wrdreg $0xFFFFFFFF  }
0xaa: {  	s28 =	simm.s32 $_size_execute0_lowered;
	s6 =	sadd.s32 s6, s8;
	[dreg:$0x0] =	wrdreg $0x0  }
0xab: {  	s8 =	sshll.u32 s28, $0x1;
	[dreg:$0x2] =	wrdreg s6  }
0xac: {  	[dreg:$0x3] =	wrdreg s8  }
0xad: {  	[dreg:$0x4] =	wrdreg $0xC0  }
0xae: {  	_ =	task [dreg:s10], $0x5FFFF  }
0xaf: {  	[dreg:$0x1] =	wrdreg $0xFFFFFFFF  }
0xb0: {  	[dreg:$0x0] =	wrdreg $0x60  }
0xb1: {  	[dreg:$0x2] =	wrdreg s2  }
0xb2: {  	[dreg:$0x3] =	wrdreg s18  }
0xb3: {  	[dreg:$0x4] =	wrdreg s4  }
0xb4: {  	[dreg:$0x5] =	wrdreg s5  }
0xb5: {  	[dreg:$0x6] =	wrdreg s24  }
0xb6: {  	[dreg:$0x7] =	wrdreg $0x9  }
0xb7: {  	_ =	task.clear_ibuf [dreg:s10], $0x8FFFF;
	_ =	strace $0x90000046  }
0xb8: {  	s29 =	simm.s32 $0x9;
	_ =	strace $0x80000048  }
0xb9: {  	_ =	swait.ge [sflag:s29], $0x1  }
0xba: {  	[sflag:s29] =	ssyncadd.s32 $0xFFFFFFFF  }
0xbb: {  	_ =	strace $0x90000048  }
0xbc: {  	_ =	sfence  }
0xbd: {  	s30 =	sld [smem:$0x0];
	_ =	sdelay $0x2  }
0xbe: {  	s31 =	sshll.u32 s1, $0xD;
	s1 =	sshrl.u32 s1, $0x2  }
0xbf: {  	s3 =	sand.u32 $0x4000, s31;
	s1 =	sadd.s32 s1, s30  }
0xc0: {  	s0 =	sor.u32 s3, s0;
	s1 =	sshll.u32 s1, $0x11  }
0xc1: {  	s0 =	sor.u32 s1, s0  }
0xc2: {  	s0 =	sadd.s32 $0x8F2B, s0  }
0xc3: {  	[sflag:s0] =	ssyncadd.remote.s32 $0x1  }
0xc4: {  	_ =	sfence.sel $0xFFFF  }
0xc5: {  	[dreg:$0x0] =	wrdreg $0xFFFFFFFF;
	(pc) =	sbr.abs _section_cstart, $3  }
0xc6: {  	[dreg:$0x1] =	wrdreg $0xFFFFFFFF  }
0xc7: {  	_ =	task.clear_ibuf [dreg:s10], $0x2FFFF;
	_ =	strace $0x9FFFFFFF  }
0xc8: {  	(tm) =	ssettm $0x7FFFFFFF  }
0xc9: {  	_ =	shalt  }
tec
execute0_lowered:
.L_overlay_start_1:
0x0: {  	(tag) =	ssettag $0x1  }
0x1: {  	s6 =	rddreg [dreg:$0x0]  }
0x2: {  	s7 =	rddreg [dreg:$0x1]  }
0x3: {  	s4 =	rddreg [dreg:$0x2]  }
0x4: {  	s5 =	rddreg [dreg:$0x3]  }
0x5: {  	s8 =	rddreg [dreg:$0x4]  }
0x6: {  	s0 =	rddreg [dreg:$0x5]  }
0x7: {  	s3 =	srdreg.scid;
	s1 =	stileid.u32  }
0x8: {  	s2 =	simm.s32 $0x0;
	s13 =	simm.s32 $0x4080;
	s14 =	simm.s32 $0x400  }
0x9: {  	s15 =	simm.s32 $0x20000;
	s16 =	simm.s32 $0x2000;
	s17 =	simm.s32 $0x1  }
0xa: {  	s18 =	simm.s32 $0x2;
	s19 =	simm.s32 $0x4180;
	s20 =	simm.s32 $0x0  }
0xb: {  	s3 =	sand.u32 $0x1, s3;
	s9 =	sshll.u32 s1, $0x1;
	[smem:$0x7FF] =	sst s2  }
0xc: {  	s9 =	sor.u32 s3, s9;
	s10 =	ssub.s32 $0x2, s3;
	_ =	strace $0x80000047  }
0xd: {  	s3 =	sadd.s32 $0xC00, s8;
	s11 =	sshll.u32 s9, $0x4;
	s12 =	sshrl.u32 s10, $0x1  }
0xe: {  	s9 =	sshll.u32 s9, $0x7;
	s8 =	sadd.s32 s11, s8;
	s10 =	ssub.s32 s10, s12  }
0xf: {  	s4 =	sadd.s32 s4, s11;
	s5 =	sadd.s32 s5, s11;
	s6 =	sadd.s32 s6, s9  }
0x10: {  	s7 =	sadd.s32 s7, s9;
	s11 =	simm.s32 $0x3;
	s12 =	simm.s32 $0x4000  }
0x11: {  	s8 =	sadd.s32 $0xE00, s8;
	s9 =	smax.u32 s10, $0x1;
	s10 =	simm.s32 $0x4100  }
.LBB2_1:
0x12: {  	[tilespmem:s10], [sflag:$0x3] =	stream.linear.gather [hbm4b:s3+s2], $0x80, $0x38;
	[tilespmem:$0x4200] =	vst v63  }
0x13: {  	_ =	swait.ge [sflag:s11], $0x80  }
0x14: {  	[sflag:s11] =	ssyncset.done $0x0  }
0x15: {  	[sflag:s11] =	ssyncadd.s32 $0xFFFFFF80  }
0x16: {  	[tilespmem:s12], [sflag:$0x3] =	stream.linear.gather [hbm4b:s4+s2], $0x80, $0x38;
	[tilespmem:$0x4200] =	vst v63  }
0x17: {  	_ =	swait.ge [sflag:s11], $0x80  }
0x18: {  	[sflag:s11] =	ssyncset.done $0x0  }
0x19: {  	[sflag:s11] =	ssyncadd.s32 $0xFFFFFF80  }
0x1a: {  	[tilespmem:s13], [sflag:$0x3] =	stream.linear.gather [hbm4b:s5+s2], $0x80, $0x38;
	[tilespmem:$0x4200] =	vst v63  }
0x1b: {  	_ =	swait.ge [sflag:s11], $0x80  }
0x1c: {  	[sflag:s11] =	ssyncset.done $0x0  }
0x1d: {  	[sflag:s11] =	ssyncadd.s32 $0xFFFFFF80  }
0x1e: {  	v0 =	vld [tilespmem:$0x4100];
	_ =	sdelay $0x1  }
0x1f: {  	[tilespmem:s2], [sflag:$0x1] =	stream.strided.gather [hbm4b:s6+s14], $0x2000, s15, s14, $0x38;
	[tilespmem:$0x4200] =	vst v63  }
0x20: {  	_ = 	snop  }
0x21: {  	[tilespmem:s16], [sflag:$0x2] =	stream.strided.gather [hbm4b:s7+s14], $0x2000, s15, s14, $0x38;
	[tilespmem:$0x4200] =	vst v63  }
0x22: {  	[tilespmem:$0x1FE30] =	vst v0  }
0x23: {  	_ =	swait.ge [sflag:s17], $0x2000  }
0x24: {  	[sflag:s17] =	ssyncset.done $0x0  }
0x25: {  	[sflag:s17] =	ssyncadd.s32 $0xFFFFE000  }
0x26: {  	_ =	swait.ge [sflag:s18], $0x2000  }
0x27: {  	[sflag:s18] =	ssyncset.done $0x0  }
0x28: {  	s21 =	simm.s32 $0x0;
	[sflag:s18] =	ssyncadd.s32 $0xFFFFE000  }
0x29: {  	v0 =	vld [tilespmem:s21+$0x1C00];
	_ =	sdelay $0x4  }
0x2a: {  	[tilespmem:$0x1FF20] =	vst v0;
	v0 =	vld [tilespmem:s21+$0x1A00];
	_ =	sdelay $0x4  }
0x2b: {  	[tilespmem:$0x1FF40] =	vst v0;
	v0 =	vld [tilespmem:s21+$0x1800];
	_ =	sdelay $0x4  }
0x2c: {  	[tilespmem:$0x1FF70] =	vst v0;
	v0 =	vld [tilespmem:s21+$0x1600]  }
0x2d: {  	v29 =	vld [tilespmem:s21+$0x1E00]  }
0x2e: {  	v15 =	vld [tilespmem:s21+$0x3E00]  }
0x2f: {  	v16 =	vld [tilespmem:s21+$0x1E80]  }
0x30: {  	v2 =	vld [tilespmem:s21+$0x3E80]  }
0x31: {  	[tilespmem:$0x1FF80] =	vst v0;
	v0 =	vld [tilespmem:s21+$0x3700]  }
0x32: {  	v18 =	vld [tilespmem:s21+$0x1F00]  }
0x33: {  	v19 =	vld [tilespmem:s21+$0x3F00]  }
0x34: {  	v12 =	vld [tilespmem:s21+$0x3C00]  }
0x35: {  	v20 =	vld [tilespmem:s21+$0x1C80]  }
0x36: {  	[tilespmem:$0x1FE40] =	vst v0;
	v0 =	vld [tilespmem:s21+$0x1400]  }
0x37: {  	v3 =	vld [tilespmem:s21+$0x3C80]  }
0x38: {  	v21 =	vld [tilespmem:s21+$0x1D00]  }
0x39: {  	v22 =	vld [tilespmem:s21+$0x3D00]  }
0x3a: {  	v13 =	vld [tilespmem:s21+$0x3A00]  }
0x3b: {  	[tilespmem:$0x1FF90] =	vst v0;
	v0 =	vld [tilespmem:s21+$0x1500]  }
0x3c: {  	v14 =	vld [tilespmem:s21+$0x1A80]  }
0x3d: {  	v4 =	vld [tilespmem:s21+$0x3A80]  }
0x3e: {  	v23 =	vld [tilespmem:s21+$0x1B00]  }
0x3f: {  	v24 =	vld [tilespmem:s21+$0x3B00]  }
0x40: {  	[tilespmem:$0x1FE50] =	vst v0;
	v0 =	vld [tilespmem:s21+$0x3500]  }
0x41: {  	v25 =	vld [tilespmem:s21+$0x3800]  }
0x42: {  	v26 =	vld [tilespmem:s21+$0x1880]  }
0x43: {  	v5 =	vld [tilespmem:s21+$0x3880]  }
0x44: {  	v27 =	vld [tilespmem:s21+$0x1900]  }
0x45: {  	[tilespmem:$0x1FE60] =	vst v0;
	v0 =	vld [tilespmem:s21+$0x1200]  }
0x46: {  	v28 =	vld [tilespmem:s21+$0x3900]  }
0x47: {  	v30 =	vld [tilespmem:s21+$0x3600]  }
0x48: {  	v17 =	vld [tilespmem:s21+$0x1680]  }
0x49: {  	v6 =	vld [tilespmem:s21+$0x3680]  }
0x4a: {  	[tilespmem:$0x1FFA0] =	vst v0;
	v0 =	vld [tilespmem:s21+$0x1300]  }
0x4b: {  	v31 =	vld [tilespmem:s21+$0x1700]  }
0x4c: {  	v32 =	vld [tilespmem:s21+$0x3400]  }
0x4d: {  	v33 =	vld [tilespmem:s21+$0x1480]  }
0x4e: {  	v7 =	vld [tilespmem:s21+$0x3480]  }
0x4f: {  	[tilespmem:$0x1FE70] =	vst v0;
	v0 =	vld [tilespmem:s21+$0x3300]  }
0x50: {  	v35 =	vld [tilespmem:s21+$0x3200]  }
0x51: {  	v56 =	vld [tilespmem:s21+$0x1280]  }
0x52: {  	v36 =	vld [tilespmem:s21+$0x3280]  }
0x53: {  	v39 =	vld [tilespmem:s21+$0x1000]  }
0x54: {  	[tilespmem:$0x1FE80] =	vst v0;
	v0 =	vld [tilespmem:s21+$0x1080]  }
0x55: {  	v57 =	vld [tilespmem:s21+$0x3000]  }
0x56: {  	v40 =	vld [tilespmem:s21+$0x3080]  }
0x57: {  	v43 =	vld [tilespmem:s21+$0x2E00]  }
0x58: {  	v44 =	vld [tilespmem:s21+$0xE80]  }
0x59: {  	v15 =	vmul.f32 v15, v29;
	[tilespmem:$0x1FFB0] =	vst v0;
	v0 =	vld [tilespmem:s21+$0x1100]  }
0x5a: {  	v8 =	vld [tilespmem:s21+$0x2E80]  }
0x5b: {  	[tilespmem:$0x1FF00] =	vst v15;
	v15 =	vld [tilespmem:$0x1FF20]  }
0x5c: {  	v45 =	vld [tilespmem:s21+$0x2C00]  }
0x5d: {  	v46 =	vld [tilespmem:s21+$0xC80]  }
0x5e: {  	[tilespmem:$0x1FE90] =	vst v0;
	v0 =	vld [tilespmem:s21+$0x3100]  }
0x5f: {  	v9 =	vld [tilespmem:s21+$0x2C80]  }
0x60: {  	v49 =	vld [tilespmem:s21+$0x2A00];
	v12 =	vmul.f32 v12, v15  }
0x61: {  	v50 =	vld [tilespmem:s21+$0xA80]  }
0x62: {  	[tilespmem:$0x1FF30] =	vst v12;
	v12 =	vld [tilespmem:$0x1FF40]  }
0x63: {  	[tilespmem:$0x1FEA0] =	vst v0;
	v0 =	vld [tilespmem:s21+$0xE00]  }
0x64: {  	v10 =	vld [tilespmem:s21+$0x2A80]  }
0x65: {  	v34 =	vld [tilespmem:s21+$0x2B00]  }
0x66: {  	v52 =	vld [tilespmem:s21+$0x2800]  }
0x67: {  	v54 =	vld [tilespmem:s21+$0x880];
	v12 =	vmul.f32 v13, v12  }
0x68: {  	[tilespmem:$0x1FFC0] =	vst v0;
	v0 =	vld [tilespmem:s21+$0xF00]  }
0x69: {  	[tilespmem:$0x1FF50] =	vst v12;
	v12 =	vld [tilespmem:$0x1FF70]  }
0x6a: {  	v11 =	vld [tilespmem:s21+$0x2880]  }
0x6b: {  	v37 =	vld [tilespmem:s21+$0x900]  }
0x6c: {  	v38 =	vld [tilespmem:s21+$0x2900]  }
0x6d: {  	[tilespmem:$0x1FEB0] =	vst v0;
	v0 =	vld [tilespmem:s21+$0x2F00]  }
0x6e: {  	v25 =	vmul.f32 v25, v12;
	v12 =	vld [tilespmem:$0x1FF80]  }
0x6f: {  	v51 =	vld [tilespmem:s21+$0x600]  }
0x70: {  	v53 =	vld [tilespmem:s21+$0x2600]  }
0x71: {  	v55 =	vld [tilespmem:s21+$0x680]  }
0x72: {  	[tilespmem:$0x1FEC0] =	vst v0;
	v0 =	vld [tilespmem:s21+$0xC00]  }
0x73: {  	v30 =	vmul.f32 v30, v12;
	v12 =	vld [tilespmem:$0x1FF90]  }
0x74: {  	v58 =	vld [tilespmem:s21+$0x2680]  }
0x75: {  	v41 =	vld [tilespmem:s21+$0x700]  }
0x76: {  	v42 =	vld [tilespmem:s21+$0x2700]  }
0x77: {  	[tilespmem:$0x1FFD0] =	vst v0;
	v0 =	vld [tilespmem:s21+$0xD00]  }
0x78: {  	v13 =	vmul.f32 v32, v12;
	v12 =	vld [tilespmem:$0x1FFA0]  }
0x79: {  	v59 =	vld [tilespmem:s21+$0x400]  }
0x7a: {  	v60 =	vld [tilespmem:s21+$0x2400]  }
0x7b: {  	v61 =	vld [tilespmem:s21+$0x480]  }
0x7c: {  	[tilespmem:$0x1FED0] =	vst v0;
	v0 =	vld [tilespmem:s21+$0x2D00]  }
0x7d: {  	v35 =	vmul.f32 v35, v12;
	v12 =	vld [tilespmem:$0x1FFB0]  }
0x7e: {  	v62 =	vld [tilespmem:s21+$0x2480]  }
0x7f: {  	v47 =	vld [tilespmem:s21+$0x500]  }
0x80: {  	v48 =	vld [tilespmem:s21+$0x2500]  }
0x81: {  	[tilespmem:$0x1FEE0] =	vst v0;
	v0 =	vld [tilespmem:s21+$0xA00]  }
0x82: {  	v40 =	vmul.f32 v40, v12;
	v12 =	vld [tilespmem:$0x1FFC0]  }
0x83: {  	v63 =	vld [tilespmem:s21+$0x0]  }
0x84: {  	v1 =	vld [tilespmem:s21+$0x80]  }
0x85: {  	v20 =	vmul.f32 v3, v20;
	v3 =	vld [tilespmem:s21+$0x100]  }
0x86: {  	[tilespmem:$0x1FFE0] =	vst v0;
	v0 =	vld [tilespmem:s21+$0xB00]  }
0x87: {  	v43 =	vmul.f32 v43, v12;
	v12 =	vld [tilespmem:$0x1FFD0]  }
0x88: {  	v26 =	vmul.f32 v5, v26;
	v5 =	vld [tilespmem:s21+$0x180]  }
0x89: {  	v29 =	vmul.f32 v6, v17;
	v6 =	vld [tilespmem:s21+$0x2180]  }
0x8a: {  	v33 =	vmul.f32 v7, v33;
	v7 =	vld [tilespmem:s21+$0x200]  }
0x8b: {  	[tilespmem:$0x1FEF0] =	vst v0;
	v0 =	vld [tilespmem:s21+$0x800]  }
0x8c: {  	v45 =	vmul.f32 v45, v12;
	v12 =	vld [tilespmem:$0x1FFE0]  }
0x8d: {  	v36 =	vmul.f32 v36, v56;
	v56 =	vld [tilespmem:s21+$0x2200]  }
0x8e: {  	v39 =	vmul.f32 v57, v39;
	v57 =	vld [tilespmem:s21+$0x280]  }
0x8f: {  	v44 =	vmul.f32 v8, v44;
	v8 =	vld [tilespmem:s21+$0x2280]  }
0x90: {  	v46 =	vmul.f32 v9, v46;
	v9 =	vld [tilespmem:s21+$0x300];
	[tilespmem:$0x1FFF0] =	vst v0  }
0x91: {  	v49 =	vmul.f32 v49, v12;
	v12 =	vld [tilespmem:$0x1FFF0]  }
0x92: {  	v2 =	vmul.f32 v2, v16;
	v50 =	vmul.f32 v10, v50;
	v10 =	vld [tilespmem:s21+$0x2300]  }
0x93: {  	v4 =	vmul.f32 v4, v14;
	v54 =	vmul.f32 v11, v54;
	v11 =	vld [tilespmem:s21+$0x380]  }
0x94: {  	[tilespmem:$0x1FF10] =	vst v2;
	v2 =	vld [tilespmem:s21+$0x2080]  }
0x95: {  	[tilespmem:$0x1FF60] =	vst v4;
	v4 =	vld [tilespmem:s21+$0x2100]  }
0x96: {  	s22 =	simm.s32 $0x40;
	v0 =	vld [tilespmem:s21+$0x2000];
	v52 =	vmul.f32 v52, v12  }
.LBB2_2:
0x97: {  	_ =	sdelay $0x1  }
0x98: {  	v12 =	vld [tilespmem:s21+$0x2380]  }
0x99: {  	v61 =	vmul.f32 v62, v61  }
0x9a: {  	v62 =	vld [tilespmem:s21+$0x580];
	v0 =	vmul.f32 v0, v63;
	v1 =	vmul.f32 v2, v1  }
0x9b: {  	v2 =	vld [tilespmem:s21+$0x2580];
	v3 =	vmul.f32 v4, v3;
	v4 =	vmul.f32 v6, v5  }
0x9c: {  	v5 =	vld [tilespmem:s21+$0x780];
	v6 =	vmul.f32 v56, v7;
	v9 =	vmul.f32 v10, v9  }
0x9d: {  	v7 =	vmul.f32 v8, v57;
	v8 =	vld [tilespmem:s21+$0x2780];
	v10 =	vmul.f32 v12, v11  }
0x9e: {  	v11 =	vld [tilespmem:s21+$0x980];
	v0 =	vadd.f32 v6, v0;
	v6 =	vmul.f32 v48, v47;
	v3 =	vadd.f32 v9, v3  }
0x9f: {  	v12 =	vld [tilespmem:s21+$0x2B80];
	v1 =	vadd.f32 v7, v1  }
0xa0: {  	v7 =	vld [tilespmem:s21+$0x2980];
	v4 =	vadd.f32 v10, v4;
	v10 =	vmul.f32 v42, v41;
	v3 =	vadd.f32 v6, v3  }
0xa1: {  	v9 =	vld [tilespmem:s21+$0xB80];
	v2 =	vmul.f32 v2, v62  }
0xa2: {  	v3 =	vadd.f32 v10, v3;
	v10 =	vld [tilespmem:$0x1FEF0]  }
0xa3: {  	v2 =	vadd.f32 v2, v4;
	v4 =	vmul.f32 v8, v5;
	v5 =	vld [tilespmem:s21+$0xD80]  }
0xa4: {  	v8 =	vld [tilespmem:s21+$0x2D80]  }
0xa5: {  	v2 =	vadd.f32 v4, v2;
	v4 =	vmul.f32 v7, v11;
	v7 =	vld [tilespmem:s21+$0xF80]  }
0xa6: {  	v11 =	vld [tilespmem:s21+$0x2F80]  }
0xa7: {  	v6 =	vmul.f32 v38, v37;
	v2 =	vadd.f32 v4, v2;
	v4 =	vmul.f32 v12, v9;
	v9 =	vld [tilespmem:$0x1FED0]  }
0xa8: {  	v12 =	vld [tilespmem:$0x1FEE0]  }
0xa9: {  	v3 =	vadd.f32 v6, v3;
	v6 =	vld [tilespmem:s21+$0x1180];
	v10 =	vmul.f32 v34, v10  }
0xaa: {  	v2 =	vadd.f32 v4, v2;
	v4 =	vmul.f32 v8, v5;
	v8 =	vld [tilespmem:$0x1FEB0]  }
0xab: {  	v3 =	vadd.f32 v10, v3;
	v10 =	vld [tilespmem:$0x1FEC0]  }
0xac: {  	v5 =	vld [tilespmem:s21+$0x1380]  }
0xad: {  	v2 =	vadd.f32 v4, v2;
	v4 =	vmul.f32 v11, v7;
	v11 =	vld [tilespmem:$0x1FEA0];
	v9 =	vmul.f32 v12, v9  }
0xae: {  	v12 =	vld [tilespmem:s21+$0x3180]  }
0xaf: {  	v3 =	vadd.f32 v9, v3;
	v9 =	vld [tilespmem:$0x1FE90]  }
0xb0: {  	v8 =	vmul.f32 v10, v8;
	v10 =	vld [tilespmem:s21+$0x3380]  }
0xb1: {  	v7 =	vld [tilespmem:s21+$0x1580]  }
0xb2: {  	v3 =	vadd.f32 v8, v3;
	v8 =	vld [tilespmem:$0x1FE70]  }
0xb3: {  	v2 =	vadd.f32 v4, v2;
	v4 =	vmul.f32 v12, v6;
	v12 =	vld [tilespmem:$0x1FE80]  }
0xb4: {  	v60 =	vmul.f32 v60, v59;
	v9 =	vmul.f32 v11, v9;
	v11 =	vld [tilespmem:s21+$0x3580]  }
0xb5: {  	v2 =	vadd.f32 v4, v2;
	v4 =	vmul.f32 v10, v5;
	v10 =	vld [tilespmem:$0x1FE60]  }
0xb6: {  	v51 =	vmul.f32 v53, v51;
	v0 =	vadd.f32 v60, v0;
	v3 =	vadd.f32 v9, v3;
	v9 =	vld [tilespmem:$0x1FE50]  }
0xb7: {  	v6 =	vld [tilespmem:s21+$0x1780]  }
0xb8: {  	v0 =	vadd.f32 v51, v0;
	v5 =	vld [tilespmem:s21+$0x1980]  }
0xb9: {  	v8 =	vmul.f32 v12, v8;
	v12 =	vld [tilespmem:s21+$0x3780]  }
0xba: {  	v0 =	vadd.f32 v52, v0;
	v2 =	vadd.f32 v4, v2;
	v4 =	vmul.f32 v11, v7;
	v7 =	vld [tilespmem:s21+$0x1B80]  }
0xbb: {  	v32 =	vmul.f32 v58, v55;
	v1 =	vadd.f32 v61, v1;
	v9 =	vmul.f32 v10, v9;
	v10 =	vld [tilespmem:s21+$0x3980]  }
0xbc: {  	v0 =	vadd.f32 v49, v0;
	v3 =	vadd.f32 v8, v3;
	v8 =	vld [tilespmem:$0x1FE40]  }
0xbd: {  	v1 =	vadd.f32 v32, v1;
	v11 =	vld [tilespmem:s21+$0x3B80]  }
0xbe: {  	v0 =	vadd.f32 v45, v0;
	v2 =	vadd.f32 v4, v2;
	v4 =	vmul.f32 v12, v6;
	v6 =	vld [tilespmem:s21+$0x1D80]  }
0xbf: {  	v1 =	vadd.f32 v54, v1;
	v12 =	vld [tilespmem:s21+$0x3D80]  }
0xc0: {  	v0 =	vadd.f32 v43, v0;
	v2 =	vadd.f32 v4, v2;
	v4 =	vmul.f32 v10, v5;
	v5 =	vld [tilespmem:s21+$0x1F80]  }
0xc1: {  	v1 =	vadd.f32 v50, v1;
	v10 =	vld [tilespmem:s21+$0x3F80]  }
0xc2: {  	v0 =	vadd.f32 v39, v0;
	v2 =	vadd.f32 v4, v2;
	v4 =	vmul.f32 v11, v7  }
0xc3: {  	s23 =	sshra.s32 s22, $0x2;
	v1 =	vadd.f32 v46, v1;
	v3 =	vadd.f32 v9, v3;
	v8 =	vmul.f32 v8, v31  }
0xc4: {  	v0 =	vadd.f32 v35, v0;
	v2 =	vadd.f32 v4, v2;
	v4 =	vmul.f32 v12, v6;
	v6 =	vld [tilespmem:s23+$0x3E00]  }
0xc5: {  	v1 =	vadd.f32 v44, v1;
	v9 =	vmul.f32 v28, v27;
	v3 =	vadd.f32 v8, v3  }
0xc6: {  	v0 =	vadd.f32 v13, v0;
	v2 =	vadd.f32 v4, v2;
	v4 =	vmul.f32 v10, v5;
	v5 =	vld [tilespmem:s23+$0x3E80]  }
0xc7: {  	v1 =	vadd.f32 v40, v1;
	v3 =	vadd.f32 v9, v3;
	v9 =	vld [tilespmem:$0x1FF50]  }
0xc8: {  	v0 =	vadd.f32 v30, v0  }
0xc9: {  	v1 =	vadd.f32 v36, v1;
	[tilespmem:$0x1FD60] =	vst v6;
	v6 =	vld [tilespmem:$0x1FF30]  }
0xca: {  	v0 =	vadd.f32 v25, v0  }
0xcb: {  	v1 =	vadd.f32 v33, v1;
	[tilespmem:$0x1FD80] =	vst v5;
	v5 =	vld [tilespmem:$0x1FF00]  }
0xcc: {  	v0 =	vadd.f32 v9, v0;
	v9 =	vld [tilespmem:$0x1FF60]  }
0xcd: {  	v1 =	vadd.f32 v29, v1  }
0xce: {  	v0 =	vadd.f32 v6, v0  }
0xcf: {  	v1 =	vadd.f32 v26, v1;
	v8 =	vmul.f32 v24, v23  }
0xd0: {  	v0 =	vadd.f32 v5, v0;
	v5 =	vld [tilespmem:$0x1FF10]  }
0xd1: {  	v3 =	vadd.f32 v8, v3;
	v1 =	vadd.f32 v9, v1;
	v9 =	vmul.f32 v22, v21;
	_ =	sdelay $0x1  }
0xd2: {  	v1 =	vadd.f32 v20, v1;
	v6 =	vmul.f32 v19, v18;
	v3 =	vadd.f32 v9, v3  }
0xd3: {  	v2 =	vadd.f32 v4, v2  }
0xd4: {  	v13 =	vld [tilespmem:s23+$0x1A00];
	v3 =	vadd.f32 v6, v3;
	v1 =	vadd.f32 v5, v1  }
0xd5: {  	v33 =	vld [tilespmem:s23+$0x3A00]  }
0xd6: {  	v30 =	vld [tilespmem:s23+$0x1E00];
	v0 =	vadd.f32 v1, v0;
	v1 =	vadd.f32 v2, v3  }
0xd7: {  	v25 =	vld [tilespmem:s23+$0x3A80]  }
0xd8: {  	v0 =	vadd.f32 v1, v0;
	v1 =	vld [tilespmem:s23+$0x1D00]  }
0xd9: {  	v7 =	vld [tilespmem:s21+$0x4080]  }
0xda: {  	v4 =	vld [tilespmem:s23+$0x3F00]  }
0xdb: {  	v8 =	vld [tilespmem:s23+$0x1E80]  }
0xdc: {  	v3 =	vld [tilespmem:$0x1FD60]  }
0xdd: {  	[tilespmem:$0x1FDE0] =	vst v1;
	v1 =	vld [tilespmem:s23+$0x3D00]  }
0xde: {  	v11 =	vld [tilespmem:s21+$0x4000]  }
0xdf: {  	[tilespmem:$0x1FDC0] =	vst v4;
	v4 =	vld [tilespmem:s23+$0x1C00]  }
0xe0: {  	v5 =	vld [tilespmem:s23+$0x1F00]  }
0xe1: {  	[tilespmem:$0x1FD70] =	vst v8;
	v3 =	vmul.f32 v3, v30;
	v30 =	vld [tilespmem:$0x1FD80]  }
0xe2: {  	[tilespmem:$0x1FDD0] =	vst v1;
	v1 =	vld [tilespmem:$0x1FE30]  }
0xe3: {  	v0 =	vadd.f32 v0, v11;
	[tilespmem:$0x1FF00] =	vst v3;
	v3 =	vld [tilespmem:$0x1FD70]  }
0xe4: {  	v20 =	vld [tilespmem:s23+$0x1C80]  }
0xe5: {  	v6 =	vld [tilespmem:s23+$0x3C00];
	v0 =	vadd.f32 v0, v7  }
0xe6: {  	[tilespmem:$0x1FD90] =	vst v4;
	v4 =	vld [tilespmem:s23+$0x3C80]  }
0xe7: {  	[tilespmem:$0x1FDA0] =	vst v5;
	v5 =	vld [tilespmem:s23+$0x1A80];
	v0 =	vadd.f32 v0, v1  }
0xe8: {  	v3 =	vmul.f32 v30, v3;
	v30 =	vld [tilespmem:$0x1FD90]  }
0xe9: {  	v1 =	vld [tilespmem:s23+$0x1B00];
	[tilespmem:s21+$0x4180] =	vst v0;
	s21 =	smov.u32 s23  }
0xea: {  	v0 =	vld [tilespmem:s21+$0x3B00]  }
0xeb: {  	v26 =	vld [tilespmem:s21+$0x1800]  }
0xec: {  	v29 =	vld [tilespmem:s21+$0x3800]  }
0xed: {  	v43 =	vld [tilespmem:s21+$0x1880]  }
0xee: {  	v44 =	vld [tilespmem:s21+$0x3880]  }
0xef: {  	v45 =	vld [tilespmem:s21+$0x1600]  }
0xf0: {  	v46 =	vld [tilespmem:s21+$0x3600]  }
0xf1: {  	v49 =	vld [tilespmem:s21+$0x1680]  }
0xf2: {  	v7 =	vld [tilespmem:s21+$0x3680]  }
0xf3: {  	v52 =	vld [tilespmem:s21+$0x1400]  }
0xf4: {  	v54 =	vld [tilespmem:s21+$0x3400]  }
0xf5: {  	v56 =	vld [tilespmem:s21+$0x1480]  }
0xf6: {  	v57 =	vld [tilespmem:s21+$0x3480]  }
0xf7: {  	v35 =	vld [tilespmem:s21+$0x1200]  }
0xf8: {  	v39 =	vld [tilespmem:s21+$0x3200]  }
0xf9: {  	[tilespmem:$0x1FDF0] =	vst v0;
	v0 =	vld [tilespmem:s21+$0x1900]  }
0xfa: {  	v10 =	vld [tilespmem:s21+$0x1280]  }
0xfb: {  	v36 =	vld [tilespmem:s21+$0x3280]  }
0xfc: {  	v8 =	vld [tilespmem:s21+$0x1000]  }
0xfd: {  	v40 =	vld [tilespmem:s21+$0x3000]  }
0xfe: {  	[tilespmem:$0x1FE10] =	vst v0;
	v0 =	vld [tilespmem:s21+$0x3900]  }
0xff: {  	v14 =	vld [tilespmem:s21+$0x1080]  }
0x100: {  	v15 =	vld [tilespmem:s21+$0x3080]  }
0x101: {  	v16 =	vld [tilespmem:s21+$0xE00]  }
0x102: {  	v17 =	vld [tilespmem:s21+$0x2E00]  }
0x103: {  	[tilespmem:$0x1FE00] =	vst v0;
	v0 =	vld [tilespmem:s21+$0x1700]  }
0x104: {  	v18 =	vld [tilespmem:s21+$0xE80]  }
0x105: {  	v9 =	vld [tilespmem:s21+$0x2E80]  }
0x106: {  	v23 =	vld [tilespmem:s21+$0xC00]  }
0x107: {  	v19 =	vld [tilespmem:s21+$0x2C00]  }
0x108: {  	[tilespmem:$0x1FE20] =	vst v0;
	v0 =	vld [tilespmem:s21+$0x3700]  }
0x109: {  	v21 =	vld [tilespmem:s21+$0xC80]  }
0x10a: {  	v22 =	vld [tilespmem:s21+$0x2C80]  }
0x10b: {  	v24 =	vld [tilespmem:s21+$0xA00]  }
0x10c: {  	v11 =	vld [tilespmem:s21+$0x2A00]  }
0x10d: {  	[tilespmem:$0x1FE40] =	vst v0;
	v0 =	vld [tilespmem:s21+$0x1500]  }
0x10e: {  	v32 =	vld [tilespmem:s21+$0xA80]  }
0x10f: {  	v50 =	vld [tilespmem:s21+$0x2A80]  }
0x110: {  	v34 =	vld [tilespmem:s21+$0x2B00]  }
0x111: {  	v27 =	vld [tilespmem:s21+$0x800]  }
0x112: {  	[tilespmem:$0x1FE50] =	vst v0;
	v0 =	vld [tilespmem:s21+$0x3500]  }
0x113: {  	v28 =	vld [tilespmem:s21+$0x2800]  }
0x114: {  	v12 =	vld [tilespmem:s21+$0x880]  }
0x115: {  	v31 =	vld [tilespmem:s21+$0x2880]  }
0x116: {  	v37 =	vld [tilespmem:s21+$0x900]  }
0x117: {  	[tilespmem:$0x1FE60] =	vst v0;
	v0 =	vld [tilespmem:s21+$0x1300]  }
0x118: {  	v38 =	vld [tilespmem:s21+$0x2900]  }
0x119: {  	v51 =	vld [tilespmem:s21+$0x600]  }
0x11a: {  	v53 =	vld [tilespmem:s21+$0x2600]  }
0x11b: {  	v55 =	vld [tilespmem:s21+$0x680]  }
0x11c: {  	[tilespmem:$0x1FE70] =	vst v0;
	v0 =	vld [tilespmem:s21+$0x3300]  }
0x11d: {  	v58 =	vld [tilespmem:s21+$0x2680]  }
0x11e: {  	v41 =	vld [tilespmem:s21+$0x700]  }
0x11f: {  	v42 =	vld [tilespmem:s21+$0x2700]  }
0x120: {  	v59 =	vld [tilespmem:s21+$0x400]  }
0x121: {  	[tilespmem:$0x1FE80] =	vst v0;
	v0 =	vld [tilespmem:s21+$0x1100]  }
0x122: {  	v60 =	vld [tilespmem:s21+$0x2400]  }
0x123: {  	v61 =	vld [tilespmem:s21+$0x480]  }
0x124: {  	v62 =	vld [tilespmem:s21+$0x2480]  }
0x125: {  	v47 =	vld [tilespmem:s21+$0x500]  }
0x126: {  	[tilespmem:$0x1FE90] =	vst v0;
	v0 =	vld [tilespmem:s21+$0x3100]  }
0x127: {  	v48 =	vld [tilespmem:s21+$0x2500]  }
0x128: {  	v63 =	vld [tilespmem:s21+$0x0]  }
0x129: {  	v2 =	vld [tilespmem:s21+$0x2080]  }
0x12a: {  	[tilespmem:$0x1FF10] =	vst v3;
	v6 =	vmul.f32 v6, v30;
	v3 =	vld [tilespmem:s21+$0x100]  }
0x12b: {  	v5 =	vmul.f32 v25, v5;
	[tilespmem:$0x1FEA0] =	vst v0;
	v0 =	vld [tilespmem:s21+$0xF00]  }
0x12c: {  	v20 =	vmul.f32 v4, v20;
	[tilespmem:$0x1FF30] =	vst v6;
	v6 =	vmul.f32 v33, v13;
	v4 =	vld [tilespmem:s21+$0x2100]  }
0x12d: {  	[tilespmem:$0x1FF60] =	vst v5;
	v5 =	vld [tilespmem:s21+$0x180]  }
0x12e: {  	[tilespmem:$0x1FF50] =	vst v6;
	v6 =	vld [tilespmem:s21+$0x2180]  }
0x12f: {  	[tilespmem:$0x1FDB0] =	vst v1;
	v1 =	vld [tilespmem:s21+$0x80]  }
0x130: {  	[tilespmem:$0x1FEB0] =	vst v0;
	v0 =	vld [tilespmem:s21+$0x2F00]  }
0x131: {  	v25 =	vmul.f32 v29, v26;
	v29 =	vmul.f32 v7, v49;
	v7 =	vld [tilespmem:s21+$0x200]  }
0x132: {  	v33 =	vmul.f32 v57, v56;
	v56 =	vld [tilespmem:s21+$0x2200]  }
0x133: {  	v57 =	vld [tilespmem:s21+$0x280]  }
0x134: {  	v35 =	vmul.f32 v39, v35;
	v39 =	vmul.f32 v40, v8;
	v8 =	vld [tilespmem:s21+$0x2280]  }
0x135: {  	[tilespmem:$0x1FEC0] =	vst v0;
	v0 =	vld [tilespmem:s21+$0xD00]  }
0x136: {  	v26 =	vmul.f32 v44, v43;
	v44 =	vmul.f32 v9, v18;
	v18 =	vld [tilespmem:$0x1FDA0]  }
0x137: {  	v9 =	vld [tilespmem:s21+$0x300]  }
0x138: {  	v30 =	vmul.f32 v46, v45;
	v45 =	vmul.f32 v19, v23;
	v23 =	vld [tilespmem:$0x1FDB0]  }
0x139: {  	v19 =	vld [tilespmem:$0x1FDC0]  }
0x13a: {  	[tilespmem:$0x1FED0] =	vst v0;
	v0 =	vld [tilespmem:s21+$0x2D00]  }
0x13b: {  	v46 =	vmul.f32 v22, v21;
	v22 =	vld [tilespmem:$0x1FDD0]  }
0x13c: {  	v21 =	vld [tilespmem:$0x1FDE0]  }
0x13d: {  	v36 =	vmul.f32 v36, v10;
	v10 =	vld [tilespmem:s21+$0x2300]  }
0x13e: {  	v49 =	vmul.f32 v11, v24;
	v11 =	vld [tilespmem:s21+$0x380]  }
0x13f: {  	p0 =	sne.s32 s22, $0x1C0;
	[tilespmem:$0x1FEE0] =	vst v0;
	v0 =	vld [tilespmem:s21+$0xB00]  }
.Ltmp0:
0x140: {  	v24 =	vld [tilespmem:$0x1FDF0];
	(pc) =	sbr.rel @p0 .LBB2_2-.Ltmp0, $4  }
0x141: {  	v13 =	vmul.f32 v54, v52;
	v52 =	vmul.f32 v28, v27;
	v27 =	vld [tilespmem:$0x1FE10]  }
0x142: {  	v28 =	vld [tilespmem:$0x1FE00]  }
0x143: {  	v40 =	vmul.f32 v15, v14;
	v54 =	vmul.f32 v31, v12;
	v31 =	vld [tilespmem:$0x1FE20]  }
0x144: {  	s22 =	sadd.s32 $0x40, s22;
	v43 =	vmul.f32 v17, v16;
	v50 =	vmul.f32 v50, v32;
	[tilespmem:$0x1FEF0] =	vst v0;
	v0 =	vld [tilespmem:s21+$0x2000]  }
0x145: {  	v14 =	vld [tilespmem:s21+$0x2380]  }
0x146: {  	v17 =	vld [tilespmem:s21+$0x580]  }
0x147: {  	v15 =	vmul.f32 v60, v59;
	v60 =	vld [tilespmem:s21+$0x2580]  }
0x148: {  	v16 =	vmul.f32 v62, v61;
	v62 =	vld [tilespmem:s21+$0x780]  }
0x149: {  	v12 =	vmul.f32 v53, v51;
	v53 =	vld [tilespmem:s21+$0x2780]  }
0x14a: {  	v32 =	vmul.f32 v58, v55;
	v58 =	vld [tilespmem:s21+$0x2980]  }
0x14b: {  	v1 =	vmul.f32 v2, v1;
	v51 =	vmul.f32 v8, v57;
	v59 =	vld [tilespmem:s21+$0xB80]  }
0x14c: {  	v57 =	vmul.f32 v48, v47;
	v47 =	vld [tilespmem:s21+$0x1180]  }
0x14d: {  	v3 =	vmul.f32 v4, v3;
	v9 =	vmul.f32 v10, v9;
	v48 =	vld [tilespmem:$0x1FED0];
	v1 =	vadd.f32 v51, v1  }
0x14e: {  	v0 =	vmul.f32 v0, v63;
	v63 =	vmul.f32 v56, v7;
	v56 =	vld [tilespmem:s21+$0x980]  }
0x14f: {  	v3 =	vadd.f32 v9, v3;
	v1 =	vadd.f32 v16, v1;
	v16 =	vmul.f32 v38, v37;
	v37 =	vld [tilespmem:s21+$0xF80]  }
0x150: {  	v38 =	vld [tilespmem:$0x1FEF0]  }
0x151: {  	v3 =	vadd.f32 v57, v3;
	v57 =	vld [tilespmem:s21+$0x1580]  }
0x152: {  	v2 =	vmul.f32 v60, v17;
	v17 =	vld [tilespmem:s21+$0x2D80]  }
0x153: {  	v61 =	vmul.f32 v6, v5;
	v60 =	vmul.f32 v42, v41;
	v41 =	vld [tilespmem:s21+$0x2F80]  }
0x154: {  	v55 =	vmul.f32 v14, v11;
	v62 =	vmul.f32 v53, v62;
	v53 =	vld [tilespmem:$0x1FEB0]  }
0x155: {  	v0 =	vadd.f32 v63, v0;
	v63 =	vld [tilespmem:s21+$0xD80]  }
0x156: {  	v4 =	vadd.f32 v55, v61;
	v61 =	vld [tilespmem:s21+$0x2B80]  }
0x157: {  	v1 =	vadd.f32 v32, v1;
	v55 =	vld [tilespmem:s21+$0x3380]  }
0x158: {  	v3 =	vadd.f32 v60, v3;
	v60 =	vld [tilespmem:s21+$0x3580]  }
0x159: {  	v0 =	vadd.f32 v15, v0;
	v1 =	vadd.f32 v54, v1;
	v54 =	vld [tilespmem:$0x1FEC0]  }
0x15a: {  	v32 =	vmul.f32 v58, v56;
	v58 =	vld [tilespmem:$0x1FE90]  }
0x15b: {  	v3 =	vadd.f32 v16, v3;
	v16 =	vld [tilespmem:$0x1FE80];
	v0 =	vadd.f32 v12, v0  }
0x15c: {  	v2 =	vadd.f32 v2, v4;
	v10 =	vmul.f32 v34, v38;
	v34 =	vld [tilespmem:s21+$0x1980]  }
0x15d: {  	v1 =	vadd.f32 v50, v1;
	v50 =	vld [tilespmem:s21+$0x3180];
	v0 =	vadd.f32 v52, v0  }
0x15e: {  	v56 =	vmul.f32 v41, v37;
	v37 =	vld [tilespmem:s21+$0x3980]  }
0x15f: {  	v2 =	vadd.f32 v62, v2;
	v0 =	vadd.f32 v49, v0;
	v49 =	vld [tilespmem:$0x1FEE0]  }
0x160: {  	v41 =	vld [tilespmem:s21+$0x3B80];
	v1 =	vadd.f32 v46, v1  }
0x161: {  	v62 =	vld [tilespmem:s21+$0x1780];
	v42 =	vmul.f32 v61, v59;
	v2 =	vadd.f32 v32, v2;
	v0 =	vadd.f32 v45, v0  }
0x162: {  	v51 =	vmul.f32 v17, v63;
	v63 =	vld [tilespmem:$0x1FE70];
	v1 =	vadd.f32 v44, v1  }
0x163: {  	v59 =	vld [tilespmem:$0x1FEA0];
	v2 =	vadd.f32 v42, v2;
	v0 =	vadd.f32 v43, v0  }
0x164: {  	v3 =	vadd.f32 v10, v3;
	v52 =	vld [tilespmem:s21+$0x1380];
	v1 =	vadd.f32 v40, v1;
	v9 =	vmul.f32 v49, v48  }
0x165: {  	v17 =	vld [tilespmem:s21+$0x3780];
	v2 =	vadd.f32 v51, v2;
	v0 =	vadd.f32 v39, v0  }
0x166: {  	v8 =	vmul.f32 v54, v53;
	v1 =	vadd.f32 v36, v1;
	v36 =	vld [tilespmem:$0x1FE60];
	v3 =	vadd.f32 v9, v3  }
0x167: {  	v61 =	vmul.f32 v50, v47;
	v0 =	vadd.f32 v35, v0;
	v35 =	vld [tilespmem:$0x1FE50]  }
0x168: {  	v47 =	vld [tilespmem:s21+$0x1F80];
	v2 =	vadd.f32 v56, v2;
	v9 =	vmul.f32 v59, v58;
	v3 =	vadd.f32 v8, v3  }
0x169: {  	v40 =	vld [tilespmem:$0x1FE40];
	v32 =	vmul.f32 v55, v52  }
0x16a: {  	v45 =	vld [tilespmem:s21+$0x3D80];
	v2 =	vadd.f32 v61, v2;
	v8 =	vmul.f32 v16, v63;
	v3 =	vadd.f32 v9, v3  }
0x16b: {  	v38 =	vmul.f32 v60, v57;
	v51 =	vld [tilespmem:$0x1FF50]  }
0x16c: {  	v52 =	vld [tilespmem:$0x1FF60];
	v2 =	vadd.f32 v32, v2;
	v9 =	vmul.f32 v36, v35;
	v3 =	vadd.f32 v8, v3  }
0x16d: {  	v42 =	vmul.f32 v17, v62;
	v39 =	vld [tilespmem:s21+$0x1B80];
	v1 =	vadd.f32 v33, v1;
	v0 =	vadd.f32 v13, v0  }
0x16e: {  	v55 =	vld [tilespmem:$0x1FF30];
	v2 =	vadd.f32 v38, v2;
	v8 =	vmul.f32 v40, v31;
	v3 =	vadd.f32 v9, v3  }
0x16f: {  	v44 =	vmul.f32 v28, v27;
	v43 =	vld [tilespmem:s21+$0x1D80];
	v1 =	vadd.f32 v29, v1;
	v0 =	vadd.f32 v30, v0  }
0x170: {  	v46 =	vmul.f32 v37, v34;
	v49 =	vld [tilespmem:s21+$0x3F80];
	v2 =	vadd.f32 v42, v2;
	v3 =	vadd.f32 v8, v3  }
0x171: {  	v48 =	vmul.f32 v24, v23;
	v58 =	vld [tilespmem:$0x1FF00];
	v1 =	vadd.f32 v26, v1;
	v0 =	vadd.f32 v25, v0  }
0x172: {  	v59 =	vld [tilespmem:$0x1FF10];
	v50 =	vmul.f32 v41, v39;
	v2 =	vadd.f32 v46, v2;
	v3 =	vadd.f32 v44, v3  }
0x173: {  	v53 =	vmul.f32 v22, v21;
	v1 =	vadd.f32 v52, v1;
	v0 =	vadd.f32 v51, v0  }
0x174: {  	v54 =	vmul.f32 v45, v43;
	v2 =	vadd.f32 v50, v2;
	v3 =	vadd.f32 v48, v3  }
0x175: {  	v56 =	vmul.f32 v19, v18;
	v1 =	vadd.f32 v20, v1;
	v0 =	vadd.f32 v55, v0  }
0x176: {  	v57 =	vmul.f32 v49, v47;
	v2 =	vadd.f32 v54, v2;
	v3 =	vadd.f32 v53, v3  }
0x177: {  	v1 =	vadd.f32 v59, v1;
	v0 =	vadd.f32 v58, v0  }
0x178: {  	v2 =	vadd.f32 v57, v2;
	v3 =	vadd.f32 v56, v3  }
0x179: {  	v60 =	vld [tilespmem:s21+$0x4000]  }
0x17a: {  	v0 =	vadd.f32 v1, v0;
	v61 =	vadd.f32 v2, v3  }
0x17b: {  	v62 =	vld [tilespmem:s21+$0x4080]  }
0x17c: {  	v0 =	vadd.f32 v61, v0  }
0x17d: {  	v63 =	vld [tilespmem:$0x1FE30]  }
0x17e: {  	v0 =	vadd.f32 v0, v60;
	_ =	sdelay $0x1  }
0x17f: {  	v0 =	vadd.f32 v0, v62;
	_ =	sdelay $0x1  }
0x180: {  	s20 =	sadd.s32 $0x1, s20;
	v0 =	vadd.f32 v0, v63  }
0x181: {  	p0 =	sne.s32 s20, s9  }
.Ltmp1:
0x182: {  	[tilespmem:s21+$0x4180] =	vst v0;
	(pc) =	sbr.rel @p0 .LBB2_1-.Ltmp1, $4  }
0x183: {  	[hbm4b:s8+s2] =	stream.linear.scatter [tilespmem:s19], [sflag:$0x3], $0x80, $0x38;
	[tilespmem:$0x4200] =	vst v63  }
0x184: {  	_ =	swait.ge [sflag:s11], $0x80  }
0x185: {  	[sflag:s11] =	ssyncset.done $0x0  }
0x186: {  	[sflag:s11] =	ssyncadd.s32 $0xFFFFFF80  }
0x187: {  	_ =	sfence.sel $0x180000  }
0x188: {  	[bflag:$0x0] =	sbarrier.arrive $0xFFFF  }
0x189: {  	p0 =	sne.s32 s1, $0x0;
	_ =	strace $0x90000047  }
0x18a: {  	s0 =	sadd.s32 @!p0 $0x100000, s0;
	[bflag:$0x2] =	sbarrier.arrive $0xFFFF  }
0x18b: {  	[sflag:s0] =	ssyncadd.tile.s32 @!p0 $0x1;
	_ =	shalt  }
.Lfunc_end2:
_tile_overlayer_lowered:
.L_overlay_start_2:
0x18c: {  	(tag) =	ssettag $0x2  }
0x18d: {  	s0 =	rddreg [dreg:$0x0];
	s2 =	stileid.u32  }
0x18e: {  	s1 =	rddreg [dreg:$0x1];
	p0 =	sne.s32 s2, $0x0  }
0x18f: {  	s3 =	rddreg [dreg:$0x2];
	[bflag:$0x3] =	sbarrier.arrive $0xFFFF;
	s2 =	simm.s32 @!p0 $0x1C03  }
0x190: {  	[timem:s3], [sflag:s2] =	dma.local @!p0 [hbm:s0], s1  }
0x191: {  	s0 =	simm.s32 @!p0 $0x3  }
0x192: {  	_ =	swait.ge @!p0 [sflag:s0], s1  }
0x193: {  	s1 =	ssub.s32 @!p0 $0x0, s1;
	[sflag:s0] =	ssyncset.done @!p0 $0x0  }
0x194: {  	[sflag:s0] =	ssyncadd.s32 @!p0 s1  }
0x195: {  	[bflag:$0x3] =	sbarrier.arrive $0xFFFF  }
0x196: {  	_ =	shalt  }

</sc_bundles>
